<compile_context>
chip_gen: v7x
topology: tpu7x:2x2x1
jax: 0.10.2.dev20260603
libtpu: 0.0.44.dev20260713+nightly
codegen_flags: <defaults>
</compile_context>

<pallas_src>
import jax
import jax.numpy as jnp
from jax.experimental import pallas as pl
from jax.experimental.pallas import tpu as pltpu
from jax.experimental.pallas import tpu_sc as plsc

_NUM_SC = 2
_CHUNK_ROWS = 128
_NBUF = 4


def _sc_body_factory(batch, pos, d):
    rows_per_core = pos // _NUM_SC
    nchunks = rows_per_core // _CHUNK_ROWS

    def body(w_hbm, o_hbm, buf, sem_in, sem_out):
        core = jax.lax.axis_index("core")
        base = core * rows_per_core

        ins = []
        outs = []
        for i in range(min(_NBUF, nchunks)):
            c = pltpu.async_copy(
                w_hbm.at[pl.ds(base + i * _CHUNK_ROWS, _CHUNK_ROWS), :],
                buf.at[i % _NBUF],
                sem_in.at[i % _NBUF],
            )
            ins.append(c)
        for i in range(nchunks):
            b = i % _NBUF
            ins[i].wait()
            chunk_outs = []
            for bb in range(batch):
                c = pltpu.async_copy(
                    buf.at[b],
                    o_hbm.at[bb, pl.ds(base + i * _CHUNK_ROWS, _CHUNK_ROWS), :],
                    sem_out.at[b, bb],
                )
                chunk_outs.append(c)
            outs.append(chunk_outs)
            j = i + _NBUF
            if j < nchunks:
                for c in outs[i]:
                    c.wait()
                nc = pltpu.async_copy(
                    w_hbm.at[pl.ds(base + j * _CHUNK_ROWS, _CHUNK_ROWS), :],
                    buf.at[j % _NBUF],
                    sem_in.at[j % _NBUF],
                )
                ins.append(nc)
        for i in range(max(0, nchunks - _NBUF), nchunks):
            for c in outs[i]:
                c.wait()

    return body


def kernel(tokens, W_pos):
    batch, pos = tokens.shape
    n_ctx, d = W_pos.shape
    mesh = plsc.ScalarSubcoreMesh(axis_name="core", num_cores=_NUM_SC)
    body = _sc_body_factory(batch, pos, d)
    k = pl.kernel(
        body,
        out_type=jax.ShapeDtypeStruct((batch, pos, d), W_pos.dtype),
        mesh=mesh,
        scratch_types=[
            pltpu.VMEM_SHARED((_NBUF, _CHUNK_ROWS, d), W_pos.dtype),
            pltpu.SemaphoreType.DMA((_NBUF,)),
            pltpu.SemaphoreType.DMA((_NBUF, 2)),
        ],
    )
    return k(W_pos)

# --- scband reference (transcript-rebuilt; emitter-appended) ---
"""Pipeline reference for scband-pos-embed-25031069401223 (READ-ONLY COPY).

The authoritative reference and input builder live on the scoring server;
editing this copy changes nothing except your own understanding.
"""

import jax, jax.numpy as jnp
import numpy as np

N_CTX = 4096
D_MODEL = 2048
BATCH = 2
SEQ = 4096


def setup_inputs(seed: int = 0) -> dict:
    key = jax.random.key(seed)
    k1, k2 = jax.random.split(key)
    tokens = jax.random.randint(k1, (BATCH, SEQ), 0, 50257, dtype=jnp.int32)
    W_pos = jax.random.normal(k2, (N_CTX, D_MODEL), dtype=jnp.float32) * 0.02
    return {"tokens": tokens, "W_pos": W_pos}


def reference(tokens, W_pos):
    # tokens: int[batch, pos]; only shape is used (past_kv_pos_offset=0)
    pos = tokens.shape[-1]
    batch = tokens.shape[0]
    pos_embed = jax.lax.dynamic_slice_in_dim(W_pos, 0, pos, axis=0)  # W_pos[0:pos, :]
    # einops.repeat('pos d -> batch pos d') followed by .clone()
    out = jnp.broadcast_to(pos_embed[None, :, :], (batch, pos, W_pos.shape[1]))
    return jnp.array(out)  # materialize (clone equivalent)

if __name__ == "__main__":
    import jax
    _d = setup_inputs()
    print(jax.jit(kernel)(*tuple(_d.values())))

</pallas_src>

<mosaic_0001>
#map = affine_map<(d0) -> (0, 0)>
#map1 = affine_map<(d0) -> (0, 0, 0)>
module attributes {stable_mosaic.version = 14 : i64} {
  func.func @body(%arg0: i32, %arg1: memref<4096x2048xf32, #tpu.memory_space<hbm>>, %arg2: memref<2x4096x2048xf32, #tpu.memory_space<hbm>>, %arg3: memref<4x128x2048xf32, #tpu.memory_space<vmem_shared>>, %arg4: memref<4x!tpu.dma_semaphore, #tpu.memory_space<semaphore_mem>>, %arg5: memref<4x2x!tpu.dma_semaphore, #tpu.memory_space<semaphore_mem>>) attributes {dimension_semantics = [#tpu.dimension_semantics<core_parallel>], iteration_bounds = array<i64: 2>, scalar_prefetch = 0 : i64, scratch_operands = 3 : i64, tpu.core_type = #tpu.core_type<sc_scalar_subcore>, window_params = [{transform_indices = #map}, {transform_indices = #map1}]} {
    %mul3A = arith.constant 2048 : i32
    %mul3A_0 = arith.muli %arg0, %mul3A : i32
    %add3A = arith.constant 0 : i32
    %add3A_1 = arith.addi %mul3A_0, %add3A : i32
    %dma_start3A = arith.constant 0 : i32
    %dma_start3A_2 = arith.constant 0 : i32
    %dma_start3A_3 = tpu.memref_slice %arg4[%dma_start3A_2] : memref<4x!tpu.dma_semaphore, #tpu.memory_space<semaphore_mem>> -> memref<1x!tpu.dma_semaphore, #tpu.memory_space<semaphore_mem>>
    %dma_start3A_4 = tpu.memref_squeeze %dma_start3A_3 : memref<1x!tpu.dma_semaphore, #tpu.memory_space<semaphore_mem>> -> memref<!tpu.dma_semaphore, #tpu.memory_space<semaphore_mem>>
    %dma_start3A_5 = arith.constant 0 : i32
    %dma_start3A_6 = arith.constant 0 : i32
    %dma_start3A_7 = tpu.memref_slice %arg3[%dma_start3A, %dma_start3A_5, %dma_start3A_6] : memref<4x128x2048xf32, #tpu.memory_space<vmem_shared>> -> memref<1x128x2048xf32, #tpu.memory_space<vmem_shared>>
    %dma_start3A_8 = tpu.memref_squeeze %dma_start3A_7 : memref<1x128x2048xf32, #tpu.memory_space<vmem_shared>> -> memref<128x2048xf32, #tpu.memory_space<vmem_shared>>
    %dma_start3A_9 = arith.constant 0 : i32
    %dma_start3A_10 = tpu.memref_slice %arg1[%add3A_1, %dma_start3A_9] : memref<4096x2048xf32, #tpu.memory_space<hbm>> -> memref<128x2048xf32, #tpu.memory_space<hbm>>
    tpu.enqueue_dma source(%dma_start3A_10 : memref<128x2048xf32, #tpu.memory_space<hbm>>) target(%dma_start3A_8 : memref<128x2048xf32, #tpu.memory_space<vmem_shared>>) target_semaphore(%dma_start3A_4 : memref<!tpu.dma_semaphore, #tpu.memory_space<semaphore_mem>>)
    %add3A_11 = arith.constant 128 : i32
    %add3A_12 = arith.addi %mul3A_0, %add3A_11 : i32
    %dma_start3A_13 = arith.constant 1 : i32
    %dma_start3A_14 = arith.constant 1 : i32
    %dma_start3A_15 = tpu.memref_slice %arg4[%dma_start3A_14] : memref<4x!tpu.dma_semaphore, #tpu.memory_space<semaphore_mem>> -> memref<1x!tpu.dma_semaphore, #tpu.memory_space<semaphore_mem>>
    %dma_start3A_16 = tpu.memref_squeeze %dma_start3A_15 : memref<1x!tpu.dma_semaphore, #tpu.memory_space<semaphore_mem>> -> memref<!tpu.dma_semaphore, #tpu.memory_space<semaphore_mem>>
    %dma_start3A_17 = arith.constant 0 : i32
    %dma_start3A_18 = arith.constant 0 : i32
    %dma_start3A_19 = tpu.memref_slice %arg3[%dma_start3A_13, %dma_start3A_17, %dma_start3A_18] : memref<4x128x2048xf32, #tpu.memory_space<vmem_shared>> -> memref<1x128x2048xf32, #tpu.memory_space<vmem_shared>>
    %dma_start3A_20 = tpu.memref_squeeze %dma_start3A_19 : memref<1x128x2048xf32, #tpu.memory_space<vmem_shared>> -> memref<128x2048xf32, #tpu.memory_space<vmem_shared>>
    %dma_start3A_21 = arith.constant 0 : i32
    %dma_start3A_22 = tpu.memref_slice %arg1[%add3A_12, %dma_start3A_21] : memref<4096x2048xf32, #tpu.memory_space<hbm>> -> memref<128x2048xf32, #tpu.memory_space<hbm>>
    tpu.enqueue_dma source(%dma_start3A_22 : memref<128x2048xf32, #tpu.memory_space<hbm>>) target(%dma_start3A_20 : memref<128x2048xf32, #tpu.memory_space<vmem_shared>>) target_semaphore(%dma_start3A_16 : memref<!tpu.dma_semaphore, #tpu.memory_space<semaphore_mem>>)
    %add3A_23 = arith.constant 256 : i32
    %add3A_24 = arith.addi %mul3A_0, %add3A_23 : i32
    %dma_start3A_25 = arith.constant 2 : i32
    %dma_start3A_26 = arith.constant 2 : i32
    %dma_start3A_27 = tpu.memref_slice %arg4[%dma_start3A_26] : memref<4x!tpu.dma_semaphore, #tpu.memory_space<semaphore_mem>> -> memref<1x!tpu.dma_semaphore, #tpu.memory_space<semaphore_mem>>
    %dma_start3A_28 = tpu.memref_squeeze %dma_start3A_27 : memref<1x!tpu.dma_semaphore, #tpu.memory_space<semaphore_mem>> -> memref<!tpu.dma_semaphore, #tpu.memory_space<semaphore_mem>>
    %dma_start3A_29 = arith.constant 0 : i32
    %dma_start3A_30 = arith.constant 0 : i32
    %dma_start3A_31 = tpu.memref_slice %arg3[%dma_start3A_25, %dma_start3A_29, %dma_start3A_30] : memref<4x128x2048xf32, #tpu.memory_space<vmem_shared>> -> memref<1x128x2048xf32, #tpu.memory_space<vmem_shared>>
    %dma_start3A_32 = tpu.memref_squeeze %dma_start3A_31 : memref<1x128x2048xf32, #tpu.memory_space<vmem_shared>> -> memref<128x2048xf32, #tpu.memory_space<vmem_shared>>
    %dma_start3A_33 = arith.constant 0 : i32
    %dma_start3A_34 = tpu.memref_slice %arg1[%add3A_24, %dma_start3A_33] : memref<4096x2048xf32, #tpu.memory_space<hbm>> -> memref<128x2048xf32, #tpu.memory_space<hbm>>
    tpu.enqueue_dma source(%dma_start3A_34 : memref<128x2048xf32, #tpu.memory_space<hbm>>) target(%dma_start3A_32 : memref<128x2048xf32, #tpu.memory_space<vmem_shared>>) target_semaphore(%dma_start3A_28 : memref<!tpu.dma_semaphore, #tpu.memory_space<semaphore_mem>>)
    %add3A_35 = arith.constant 384 : i32
    %add3A_36 = arith.addi %mul3A_0, %add3A_35 : i32
    %dma_start3A_37 = arith.constant 3 : i32
    %dma_start3A_38 = arith.constant 3 : i32
    %dma_start3A_39 = tpu.memref_slice %arg4[%dma_start3A_38] : memref<4x!tpu.dma_semaphore, #tpu.memory_space<semaphore_mem>> -> memref<1x!tpu.dma_semaphore, #tpu.memory_space<semaphore_mem>>
    %dma_start3A_40 = tpu.memref_squeeze %dma_start3A_39 : memref<1x!tpu.dma_semaphore, #tpu.memory_space<semaphore_mem>> -> memref<!tpu.dma_semaphore, #tpu.memory_space<semaphore_mem>>
    %dma_start3A_41 = arith.constant 0 : i32
    %dma_start3A_42 = arith.constant 0 : i32
    %dma_start3A_43 = tpu.memref_slice %arg3[%dma_start3A_37, %dma_start3A_41, %dma_start3A_42] : memref<4x128x2048xf32, #tpu.memory_space<vmem_shared>> -> memref<1x128x2048xf32, #tpu.memory_space<vmem_shared>>
    %dma_start3A_44 = tpu.memref_squeeze %dma_start3A_43 : memref<1x128x2048xf32, #tpu.memory_space<vmem_shared>> -> memref<128x2048xf32, #tpu.memory_space<vmem_shared>>
    %dma_start3A_45 = arith.constant 0 : i32
    %dma_start3A_46 = tpu.memref_slice %arg1[%add3A_36, %dma_start3A_45] : memref<4096x2048xf32, #tpu.memory_space<hbm>> -> memref<128x2048xf32, #tpu.memory_space<hbm>>
    tpu.enqueue_dma source(%dma_start3A_46 : memref<128x2048xf32, #tpu.memory_space<hbm>>) target(%dma_start3A_44 : memref<128x2048xf32, #tpu.memory_space<vmem_shared>>) target_semaphore(%dma_start3A_40 : memref<!tpu.dma_semaphore, #tpu.memory_space<semaphore_mem>>)
    %dma_wait3A = arith.constant 0 : i32
    %dma_wait3A_47 = arith.constant 0 : i32
    %dma_wait3A_48 = tpu.memref_slice %arg4[%dma_wait3A_47] : memref<4x!tpu.dma_semaphore, #tpu.memory_space<semaphore_mem>> -> memref<1x!tpu.dma_semaphore, #tpu.memory_space<semaphore_mem>>
    %dma_wait3A_49 = tpu.memref_squeeze %dma_wait3A_48 : memref<1x!tpu.dma_semaphore, #tpu.memory_space<semaphore_mem>> -> memref<!tpu.dma_semaphore, #tpu.memory_space<semaphore_mem>>
    %dma_wait3A_50 = arith.constant 0 : i32
    %dma_wait3A_51 = arith.constant 0 : i32
    %dma_wait3A_52 = tpu.memref_slice %arg3[%dma_wait3A, %dma_wait3A_50, %dma_wait3A_51] : memref<4x128x2048xf32, #tpu.memory_space<vmem_shared>> -> memref<1x128x2048xf32, #tpu.memory_space<vmem_shared>>
    %dma_wait3A_53 = tpu.memref_squeeze %dma_wait3A_52 : memref<1x128x2048xf32, #tpu.memory_space<vmem_shared>> -> memref<128x2048xf32, #tpu.memory_space<vmem_shared>>
    %dma_wait3A_54 = arith.constant 0 : i32
    %dma_wait3A_55 = tpu.memref_slice %arg1[%add3A_1, %dma_wait3A_54] : memref<4096x2048xf32, #tpu.memory_space<hbm>> -> memref<128x2048xf32, #tpu.memory_space<hbm>>
    tpu.wait_dma2 semaphore(%dma_wait3A_49 : memref<!tpu.dma_semaphore, #tpu.memory_space<semaphore_mem>>) src(%dma_wait3A_55 : memref<128x2048xf32, #tpu.memory_space<hbm>>) dst(%dma_wait3A_53 : memref<128x2048xf32, #tpu.memory_space<vmem_shared>>)
    %add3A_56 = arith.constant 0 : i32
    %add3A_57 = arith.addi %mul3A_0, %add3A_56 : i32
    %dma_start3A_58 = arith.constant 0 : i32
    %dma_start3A_59 = arith.constant 0 : i32
    %dma_start3A_60 = arith.constant 0 : i32
    %dma_start3A_61 = arith.constant 0 : i32
    %dma_start3A_62 = tpu.memref_slice %arg5[%dma_start3A_60, %dma_start3A_61] : memref<4x2x!tpu.dma_semaphore, #tpu.memory_space<semaphore_mem>> -> memref<1x1x!tpu.dma_semaphore, #tpu.memory_space<semaphore_mem>>
    %dma_start3A_63 = tpu.memref_squeeze %dma_start3A_62 : memref<1x1x!tpu.dma_semaphore, #tpu.memory_space<semaphore_mem>> -> memref<!tpu.dma_semaphore, #tpu.memory_space<semaphore_mem>>
    %dma_start3A_64 = arith.constant 0 : i32
    %dma_start3A_65 = tpu.memref_slice %arg2[%dma_start3A_59, %add3A_57, %dma_start3A_64] : memref<2x4096x2048xf32, #tpu.memory_space<hbm>> -> memref<1x128x2048xf32, #tpu.memory_space<hbm>>
    %dma_start3A_66 = tpu.memref_squeeze %dma_start3A_65 : memref<1x128x2048xf32, #tpu.memory_space<hbm>> -> memref<128x2048xf32, #tpu.memory_space<hbm>>
    %dma_start3A_67 = arith.constant 0 : i32
    %dma_start3A_68 = arith.constant 0 : i32
    %dma_start3A_69 = tpu.memref_slice %arg3[%dma_start3A_58, %dma_start3A_67, %dma_start3A_68] : memref<4x128x2048xf32, #tpu.memory_space<vmem_shared>> -> memref<1x128x2048xf32, #tpu.memory_space<vmem_shared>>
    %dma_start3A_70 = tpu.memref_squeeze %dma_start3A_69 : memref<1x128x2048xf32, #tpu.memory_space<vmem_shared>> -> memref<128x2048xf32, #tpu.memory_space<vmem_shared>>
    tpu.enqueue_dma source(%dma_start3A_70 : memref<128x2048xf32, #tpu.memory_space<vmem_shared>>) target(%dma_start3A_66 : memref<128x2048xf32, #tpu.memory_space<hbm>>) target_semaphore(%dma_start3A_63 : memref<!tpu.dma_semaphore, #tpu.memory_space<semaphore_mem>>)
    %add3A_71 = arith.constant 0 : i32
    %add3A_72 = arith.addi %mul3A_0, %add3A_71 : i32
    %dma_start3A_73 = arith.constant 0 : i32
    %dma_start3A_74 = arith.constant 1 : i32
    %dma_start3A_75 = arith.constant 0 : i32
    %dma_start3A_76 = arith.constant 1 : i32
    %dma_start3A_77 = tpu.memref_slice %arg5[%dma_start3A_75, %dma_start3A_76] : memref<4x2x!tpu.dma_semaphore, #tpu.memory_space<semaphore_mem>> -> memref<1x1x!tpu.dma_semaphore, #tpu.memory_space<semaphore_mem>>
    %dma_start3A_78 = tpu.memref_squeeze %dma_start3A_77 : memref<1x1x!tpu.dma_semaphore, #tpu.memory_space<semaphore_mem>> -> memref<!tpu.dma_semaphore, #tpu.memory_space<semaphore_mem>>
    %dma_start3A_79 = arith.constant 0 : i32
    %dma_start3A_80 = tpu.memref_slice %arg2[%dma_start3A_74, %add3A_72, %dma_start3A_79] : memref<2x4096x2048xf32, #tpu.memory_space<hbm>> -> memref<1x128x2048xf32, #tpu.memory_space<hbm>>
    %dma_start3A_81 = tpu.memref_squeeze %dma_start3A_80 : memref<1x128x2048xf32, #tpu.memory_space<hbm>> -> memref<128x2048xf32, #tpu.memory_space<hbm>>
    %dma_start3A_82 = arith.constant 0 : i32
    %dma_start3A_83 = arith.constant 0 : i32
    %dma_start3A_84 = tpu.memref_slice %arg3[%dma_start3A_73, %dma_start3A_82, %dma_start3A_83] : memref<4x128x2048xf32, #tpu.memory_space<vmem_shared>> -> memref<1x128x2048xf32, #tpu.memory_space<vmem_shared>>
    %dma_start3A_85 = tpu.memref_squeeze %dma_start3A_84 : memref<1x128x2048xf32, #tpu.memory_space<vmem_shared>> -> memref<128x2048xf32, #tpu.memory_space<vmem_shared>>
    tpu.enqueue_dma source(%dma_start3A_85 : memref<128x2048xf32, #tpu.memory_space<vmem_shared>>) target(%dma_start3A_81 : memref<128x2048xf32, #tpu.memory_space<hbm>>) target_semaphore(%dma_start3A_78 : memref<!tpu.dma_semaphore, #tpu.memory_space<semaphore_mem>>)
    %dma_wait3A_86 = arith.constant 0 : i32
    %dma_wait3A_87 = arith.constant 0 : i32
    %dma_wait3A_88 = arith.constant 0 : i32
    %dma_wait3A_89 = arith.constant 0 : i32
    %dma_wait3A_90 = tpu.memref_slice %arg5[%dma_wait3A_88, %dma_wait3A_89] : memref<4x2x!tpu.dma_semaphore, #tpu.memory_space<semaphore_mem>> -> memref<1x1x!tpu.dma_semaphore, #tpu.memory_space<semaphore_mem>>
    %dma_wait3A_91 = tpu.memref_squeeze %dma_wait3A_90 : memref<1x1x!tpu.dma_semaphore, #tpu.memory_space<semaphore_mem>> -> memref<!tpu.dma_semaphore, #tpu.memory_space<semaphore_mem>>
    %dma_wait3A_92 = arith.constant 0 : i32
    %dma_wait3A_93 = tpu.memref_slice %arg2[%dma_wait3A_87, %add3A_57, %dma_wait3A_92] : memref<2x4096x2048xf32, #tpu.memory_space<hbm>> -> memref<1x128x2048xf32, #tpu.memory_space<hbm>>
    %dma_wait3A_94 = tpu.memref_squeeze %dma_wait3A_93 : memref<1x128x2048xf32, #tpu.memory_space<hbm>> -> memref<128x2048xf32, #tpu.memory_space<hbm>>
    %dma_wait3A_95 = arith.constant 0 : i32
    %dma_wait3A_96 = arith.constant 0 : i32
    %dma_wait3A_97 = tpu.memref_slice %arg3[%dma_wait3A_86, %dma_wait3A_95, %dma_wait3A_96] : memref<4x128x2048xf32, #tpu.memory_space<vmem_shared>> -> memref<1x128x2048xf32, #tpu.memory_space<vmem_shared>>
    %dma_wait3A_98 = tpu.memref_squeeze %dma_wait3A_97 : memref<1x128x2048xf32, #tpu.memory_space<vmem_shared>> -> memref<128x2048xf32, #tpu.memory_space<vmem_shared>>
    tpu.wait_dma2 semaphore(%dma_wait3A_91 : memref<!tpu.dma_semaphore, #tpu.memory_space<semaphore_mem>>) src(%dma_wait3A_98 : memref<128x2048xf32, #tpu.memory_space<vmem_shared>>) dst(%dma_wait3A_94 : memref<128x2048xf32, #tpu.memory_space<hbm>>)
    %dma_wait3A_99 = arith.constant 0 : i32
    %dma_wait3A_100 = arith.constant 1 : i32
    %dma_wait3A_101 = arith.constant 0 : i32
    %dma_wait3A_102 = arith.constant 1 : i32
    %dma_wait3A_103 = tpu.memref_slice %arg5[%dma_wait3A_101, %dma_wait3A_102] : memref<4x2x!tpu.dma_semaphore, #tpu.memory_space<semaphore_mem>> -> memref<1x1x!tpu.dma_semaphore, #tpu.memory_space<semaphore_mem>>
    %dma_wait3A_104 = tpu.memref_squeeze %dma_wait3A_103 : memref<1x1x!tpu.dma_semaphore, #tpu.memory_space<semaphore_mem>> -> memref<!tpu.dma_semaphore, #tpu.memory_space<semaphore_mem>>
    %dma_wait3A_105 = arith.constant 0 : i32
    %dma_wait3A_106 = tpu.memref_slice %arg2[%dma_wait3A_100, %add3A_72, %dma_wait3A_105] : memref<2x4096x2048xf32, #tpu.memory_space<hbm>> -> memref<1x128x2048xf32, #tpu.memory_space<hbm>>
    %dma_wait3A_107 = tpu.memref_squeeze %dma_wait3A_106 : memref<1x128x2048xf32, #tpu.memory_space<hbm>> -> memref<128x2048xf32, #tpu.memory_space<hbm>>
    %dma_wait3A_108 = arith.constant 0 : i32
    %dma_wait3A_109 = arith.constant 0 : i32
    %dma_wait3A_110 = tpu.memref_slice %arg3[%dma_wait3A_99, %dma_wait3A_108, %dma_wait3A_109] : memref<4x128x2048xf32, #tpu.memory_space<vmem_shared>> -> memref<1x128x2048xf32, #tpu.memory_space<vmem_shared>>
    %dma_wait3A_111 = tpu.memref_squeeze %dma_wait3A_110 : memref<1x128x2048xf32, #tpu.memory_space<vmem_shared>> -> memref<128x2048xf32, #tpu.memory_space<vmem_shared>>
    tpu.wait_dma2 semaphore(%dma_wait3A_104 : memref<!tpu.dma_semaphore, #tpu.memory_space<semaphore_mem>>) src(%dma_wait3A_111 : memref<128x2048xf32, #tpu.memory_space<vmem_shared>>) dst(%dma_wait3A_107 : memref<128x2048xf32, #tpu.memory_space<hbm>>)
    %add3A_112 = arith.constant 512 : i32
    %add3A_113 = arith.addi %mul3A_0, %add3A_112 : i32
    %dma_start3A_114 = arith.constant 0 : i32
    %dma_start3A_115 = arith.constant 0 : i32
    %dma_start3A_116 = tpu.memref_slice %arg4[%dma_start3A_115] : memref<4x!tpu.dma_semaphore, #tpu.memory_space<semaphore_mem>> -> memref<1x!tpu.dma_semaphore, #tpu.memory_space<semaphore_mem>>
    %dma_start3A_117 = tpu.memref_squeeze %dma_start3A_116 : memref<1x!tpu.dma_semaphore, #tpu.memory_space<semaphore_mem>> -> memref<!tpu.dma_semaphore, #tpu.memory_space<semaphore_mem>>
    %dma_start3A_118 = arith.constant 0 : i32
    %dma_start3A_119 = arith.constant 0 : i32
    %dma_start3A_120 = tpu.memref_slice %arg3[%dma_start3A_114, %dma_start3A_118, %dma_start3A_119] : memref<4x128x2048xf32, #tpu.memory_space<vmem_shared>> -> memref<1x128x2048xf32, #tpu.memory_space<vmem_shared>>
    %dma_start3A_121 = tpu.memref_squeeze %dma_start3A_120 : memref<1x128x2048xf32, #tpu.memory_space<vmem_shared>> -> memref<128x2048xf32, #tpu.memory_space<vmem_shared>>
    %dma_start3A_122 = arith.constant 0 : i32
    %dma_start3A_123 = tpu.memref_slice %arg1[%add3A_113, %dma_start3A_122] : memref<4096x2048xf32, #tpu.memory_space<hbm>> -> memref<128x2048xf32, #tpu.memory_space<hbm>>
    tpu.enqueue_dma source(%dma_start3A_123 : memref<128x2048xf32, #tpu.memory_space<hbm>>) target(%dma_start3A_121 : memref<128x2048xf32, #tpu.memory_space<vmem_shared>>) target_semaphore(%dma_start3A_117 : memref<!tpu.dma_semaphore, #tpu.memory_space<semaphore_mem>>)
    %dma_wait3A_124 = arith.constant 1 : i32
    %dma_wait3A_125 = arith.constant 1 : i32
    %dma_wait3A_126 = tpu.memref_slice %arg4[%dma_wait3A_125] : memref<4x!tpu.dma_semaphore, #tpu.memory_space<semaphore_mem>> -> memref<1x!tpu.dma_semaphore, #tpu.memory_space<semaphore_mem>>
    %dma_wait3A_127 = tpu.memref_squeeze %dma_wait3A_126 : memref<1x!tpu.dma_semaphore, #tpu.memory_space<semaphore_mem>> -> memref<!tpu.dma_semaphore, #tpu.memory_space<semaphore_mem>>
    %dma_wait3A_128 = arith.constant 0 : i32
    %dma_wait3A_129 = arith.constant 0 : i32
    %dma_wait3A_130 = tpu.memref_slice %arg3[%dma_wait3A_124, %dma_wait3A_128, %dma_wait3A_129] : memref<4x128x2048xf32, #tpu.memory_space<vmem_shared>> -> memref<1x128x2048xf32, #tpu.memory_space<vmem_shared>>
    %dma_wait3A_131 = tpu.memref_squeeze %dma_wait3A_130 : memref<1x128x2048xf32, #tpu.memory_space<vmem_shared>> -> memref<128x2048xf32, #tpu.memory_space<vmem_shared>>
    %dma_wait3A_132 = arith.constant 0 : i32
    %dma_wait3A_133 = tpu.memref_slice %arg1[%add3A_12, %dma_wait3A_132] : memref<4096x2048xf32, #tpu.memory_space<hbm>> -> memref<128x2048xf32, #tpu.memory_space<hbm>>
    tpu.wait_dma2 semaphore(%dma_wait3A_127 : memref<!tpu.dma_semaphore, #tpu.memory_space<semaphore_mem>>) src(%dma_wait3A_133 : memref<128x2048xf32, #tpu.memory_space<hbm>>) dst(%dma_wait3A_131 : memref<128x2048xf32, #tpu.memory_space<vmem_shared>>)
    %add3A_134 = arith.constant 128 : i32
    %add3A_135 = arith.addi %mul3A_0, %add3A_134 : i32
    %dma_start3A_136 = arith.constant 1 : i32
    %dma_start3A_137 = arith.constant 0 : i32
    %dma_start3A_138 = arith.constant 1 : i32
    %dma_start3A_139 = arith.constant 0 : i32
    %dma_start3A_140 = tpu.memref_slice %arg5[%dma_start3A_138, %dma_start3A_139] : memref<4x2x!tpu.dma_semaphore, #tpu.memory_space<semaphore_mem>> -> memref<1x1x!tpu.dma_semaphore, #tpu.memory_space<semaphore_mem>>
    %dma_start3A_141 = tpu.memref_squeeze %dma_start3A_140 : memref<1x1x!tpu.dma_semaphore, #tpu.memory_space<semaphore_mem>> -> memref<!tpu.dma_semaphore, #tpu.memory_space<semaphore_mem>>
    %dma_start3A_142 = arith.constant 0 : i32
    %dma_start3A_143 = tpu.memref_slice %arg2[%dma_start3A_137, %add3A_135, %dma_start3A_142] : memref<2x4096x2048xf32, #tpu.memory_space<hbm>> -> memref<1x128x2048xf32, #tpu.memory_space<hbm>>
    %dma_start3A_144 = tpu.memref_squeeze %dma_start3A_143 : memref<1x128x2048xf32, #tpu.memory_space<hbm>> -> memref<128x2048xf32, #tpu.memory_space<hbm>>
    %dma_start3A_145 = arith.constant 0 : i32
    %dma_start3A_146 = arith.constant 0 : i32
    %dma_start3A_147 = tpu.memref_slice %arg3[%dma_start3A_136, %dma_start3A_145, %dma_start3A_146] : memref<4x128x2048xf32, #tpu.memory_space<vmem_shared>> -> memref<1x128x2048xf32, #tpu.memory_space<vmem_shared>>
    %dma_start3A_148 = tpu.memref_squeeze %dma_start3A_147 : memref<1x128x2048xf32, #tpu.memory_space<vmem_shared>> -> memref<128x2048xf32, #tpu.memory_space<vmem_shared>>
    tpu.enqueue_dma source(%dma_start3A_148 : memref<128x2048xf32, #tpu.memory_space<vmem_shared>>) target(%dma_start3A_144 : memref<128x2048xf32, #tpu.memory_space<hbm>>) target_semaphore(%dma_start3A_141 : memref<!tpu.dma_semaphore, #tpu.memory_space<semaphore_mem>>)
    %add3A_149 = arith.constant 128 : i32
    %add3A_150 = arith.addi %mul3A_0, %add3A_149 : i32
    %dma_start3A_151 = arith.constant 1 : i32
    %dma_start3A_152 = arith.constant 1 : i32
    %dma_start3A_153 = arith.constant 1 : i32
    %dma_start3A_154 = arith.constant 1 : i32
    %dma_start3A_155 = tpu.memref_slice %arg5[%dma_start3A_153, %dma_start3A_154] : memref<4x2x!tpu.dma_semaphore, #tpu.memory_space<semaphore_mem>> -> memref<1x1x!tpu.dma_semaphore, #tpu.memory_space<semaphore_mem>>
    %dma_start3A_156 = tpu.memref_squeeze %dma_start3A_155 : memref<1x1x!tpu.dma_semaphore, #tpu.memory_space<semaphore_mem>> -> memref<!tpu.dma_semaphore, #tpu.memory_space<semaphore_mem>>
    %dma_start3A_157 = arith.constant 0 : i32
    %dma_start3A_158 = tpu.memref_slice %arg2[%dma_start3A_152, %add3A_150, %dma_start3A_157] : memref<2x4096x2048xf32, #tpu.memory_space<hbm>> -> memref<1x128x2048xf32, #tpu.memory_space<hbm>>
    %dma_start3A_159 = tpu.memref_squeeze %dma_start3A_158 : memref<1x128x2048xf32, #tpu.memory_space<hbm>> -> memref<128x2048xf32, #tpu.memory_space<hbm>>
    %dma_start3A_160 = arith.constant 0 : i32
    %dma_start3A_161 = arith.constant 0 : i32
    %dma_start3A_162 = tpu.memref_slice %arg3[%dma_start3A_151, %dma_start3A_160, %dma_start3A_161] : memref<4x128x2048xf32, #tpu.memory_space<vmem_shared>> -> memref<1x128x2048xf32, #tpu.memory_space<vmem_shared>>
    %dma_start3A_163 = tpu.memref_squeeze %dma_start3A_162 : memref<1x128x2048xf32, #tpu.memory_space<vmem_shared>> -> memref<128x2048xf32, #tpu.memory_space<vmem_shared>>
    tpu.enqueue_dma source(%dma_start3A_163 : memref<128x2048xf32, #tpu.memory_space<vmem_shared>>) target(%dma_start3A_159 : memref<128x2048xf32, #tpu.memory_space<hbm>>) target_semaphore(%dma_start3A_156 : memref<!tpu.dma_semaphore, #tpu.memory_space<semaphore_mem>>)
    %dma_wait3A_164 = arith.constant 1 : i32
    %dma_wait3A_165 = arith.constant 0 : i32
    %dma_wait3A_166 = arith.constant 1 : i32
    %dma_wait3A_167 = arith.constant 0 : i32
    %dma_wait3A_168 = tpu.memref_slice %arg5[%dma_wait3A_166, %dma_wait3A_167] : memref<4x2x!tpu.dma_semaphore, #tpu.memory_space<semaphore_mem>> -> memref<1x1x!tpu.dma_semaphore, #tpu.memory_space<semaphore_mem>>
    %dma_wait3A_169 = tpu.memref_squeeze %dma_wait3A_168 : memref<1x1x!tpu.dma_semaphore, #tpu.memory_space<semaphore_mem>> -> memref<!tpu.dma_semaphore, #tpu.memory_space<semaphore_mem>>
    %dma_wait3A_170 = arith.constant 0 : i32
    %dma_wait3A_171 = tpu.memref_slice %arg2[%dma_wait3A_165, %add3A_135, %dma_wait3A_170] : memref<2x4096x2048xf32, #tpu.memory_space<hbm>> -> memref<1x128x2048xf32, #tpu.memory_space<hbm>>
    %dma_wait3A_172 = tpu.memref_squeeze %dma_wait3A_171 : memref<1x128x2048xf32, #tpu.memory_space<hbm>> -> memref<128x2048xf32, #tpu.memory_space<hbm>>
    %dma_wait3A_173 = arith.constant 0 : i32
    %dma_wait3A_174 = arith.constant 0 : i32
    %dma_wait3A_175 = tpu.memref_slice %arg3[%dma_wait3A_164, %dma_wait3A_173, %dma_wait3A_174] : memref<4x128x2048xf32, #tpu.memory_space<vmem_shared>> -> memref<1x128x2048xf32, #tpu.memory_space<vmem_shared>>
    %dma_wait3A_176 = tpu.memref_squeeze %dma_wait3A_175 : memref<1x128x2048xf32, #tpu.memory_space<vmem_shared>> -> memref<128x2048xf32, #tpu.memory_space<vmem_shared>>
    tpu.wait_dma2 semaphore(%dma_wait3A_169 : memref<!tpu.dma_semaphore, #tpu.memory_space<semaphore_mem>>) src(%dma_wait3A_176 : memref<128x2048xf32, #tpu.memory_space<vmem_shared>>) dst(%dma_wait3A_172 : memref<128x2048xf32, #tpu.memory_space<hbm>>)
    %dma_wait3A_177 = arith.constant 1 : i32
    %dma_wait3A_178 = arith.constant 1 : i32
    %dma_wait3A_179 = arith.constant 1 : i32
    %dma_wait3A_180 = arith.constant 1 : i32
    %dma_wait3A_181 = tpu.memref_slice %arg5[%dma_wait3A_179, %dma_wait3A_180] : memref<4x2x!tpu.dma_semaphore, #tpu.memory_space<semaphore_mem>> -> memref<1x1x!tpu.dma_semaphore, #tpu.memory_space<semaphore_mem>>
    %dma_wait3A_182 = tpu.memref_squeeze %dma_wait3A_181 : memref<1x1x!tpu.dma_semaphore, #tpu.memory_space<semaphore_mem>> -> memref<!tpu.dma_semaphore, #tpu.memory_space<semaphore_mem>>
    %dma_wait3A_183 = arith.constant 0 : i32
    %dma_wait3A_184 = tpu.memref_slice %arg2[%dma_wait3A_178, %add3A_150, %dma_wait3A_183] : memref<2x4096x2048xf32, #tpu.memory_space<hbm>> -> memref<1x128x2048xf32, #tpu.memory_space<hbm>>
    %dma_wait3A_185 = tpu.memref_squeeze %dma_wait3A_184 : memref<1x128x2048xf32, #tpu.memory_space<hbm>> -> memref<128x2048xf32, #tpu.memory_space<hbm>>
    %dma_wait3A_186 = arith.constant 0 : i32
    %dma_wait3A_187 = arith.constant 0 : i32
    %dma_wait3A_188 = tpu.memref_slice %arg3[%dma_wait3A_177, %dma_wait3A_186, %dma_wait3A_187] : memref<4x128x2048xf32, #tpu.memory_space<vmem_shared>> -> memref<1x128x2048xf32, #tpu.memory_space<vmem_shared>>
    %dma_wait3A_189 = tpu.memref_squeeze %dma_wait3A_188 : memref<1x128x2048xf32, #tpu.memory_space<vmem_shared>> -> memref<128x2048xf32, #tpu.memory_space<vmem_shared>>
    tpu.wait_dma2 semaphore(%dma_wait3A_182 : memref<!tpu.dma_semaphore, #tpu.memory_space<semaphore_mem>>) src(%dma_wait3A_189 : memref<128x2048xf32, #tpu.memory_space<vmem_shared>>) dst(%dma_wait3A_185 : memref<128x2048xf32, #tpu.memory_space<hbm>>)
    %add3A_190 = arith.constant 640 : i32
    %add3A_191 = arith.addi %mul3A_0, %add3A_190 : i32
    %dma_start3A_192 = arith.constant 1 : i32
    %dma_start3A_193 = arith.constant 1 : i32
    %dma_start3A_194 = tpu.memref_slice %arg4[%dma_start3A_193] : memref<4x!tpu.dma_semaphore, #tpu.memory_space<semaphore_mem>> -> memref<1x!tpu.dma_semaphore, #tpu.memory_space<semaphore_mem>>
    %dma_start3A_195 = tpu.memref_squeeze %dma_start3A_194 : memref<1x!tpu.dma_semaphore, #tpu.memory_space<semaphore_mem>> -> memref<!tpu.dma_semaphore, #tpu.memory_space<semaphore_mem>>
    %dma_start3A_196 = arith.constant 0 : i32
    %dma_start3A_197 = arith.constant 0 : i32
    %dma_start3A_198 = tpu.memref_slice %arg3[%dma_start3A_192, %dma_start3A_196, %dma_start3A_197] : memref<4x128x2048xf32, #tpu.memory_space<vmem_shared>> -> memref<1x128x2048xf32, #tpu.memory_space<vmem_shared>>
    %dma_start3A_199 = tpu.memref_squeeze %dma_start3A_198 : memref<1x128x2048xf32, #tpu.memory_space<vmem_shared>> -> memref<128x2048xf32, #tpu.memory_space<vmem_shared>>
    %dma_start3A_200 = arith.constant 0 : i32
    %dma_start3A_201 = tpu.memref_slice %arg1[%add3A_191, %dma_start3A_200] : memref<4096x2048xf32, #tpu.memory_space<hbm>> -> memref<128x2048xf32, #tpu.memory_space<hbm>>
    tpu.enqueue_dma source(%dma_start3A_201 : memref<128x2048xf32, #tpu.memory_space<hbm>>) target(%dma_start3A_199 : memref<128x2048xf32, #tpu.memory_space<vmem_shared>>) target_semaphore(%dma_start3A_195 : memref<!tpu.dma_semaphore, #tpu.memory_space<semaphore_mem>>)
    %dma_wait3A_202 = arith.constant 2 : i32
    %dma_wait3A_203 = arith.constant 2 : i32
    %dma_wait3A_204 = tpu.memref_slice %arg4[%dma_wait3A_203] : memref<4x!tpu.dma_semaphore, #tpu.memory_space<semaphore_mem>> -> memref<1x!tpu.dma_semaphore, #tpu.memory_space<semaphore_mem>>
    %dma_wait3A_205 = tpu.memref_squeeze %dma_wait3A_204 : memref<1x!tpu.dma_semaphore, #tpu.memory_space<semaphore_mem>> -> memref<!tpu.dma_semaphore, #tpu.memory_space<semaphore_mem>>
    %dma_wait3A_206 = arith.constant 0 : i32
    %dma_wait3A_207 = arith.constant 0 : i32
    %dma_wait3A_208 = tpu.memref_slice %arg3[%dma_wait3A_202, %dma_wait3A_206, %dma_wait3A_207] : memref<4x128x2048xf32, #tpu.memory_space<vmem_shared>> -> memref<1x128x2048xf32, #tpu.memory_space<vmem_shared>>
    %dma_wait3A_209 = tpu.memref_squeeze %dma_wait3A_208 : memref<1x128x2048xf32, #tpu.memory_space<vmem_shared>> -> memref<128x2048xf32, #tpu.memory_space<vmem_shared>>
    %dma_wait3A_210 = arith.constant 0 : i32
    %dma_wait3A_211 = tpu.memref_slice %arg1[%add3A_24, %dma_wait3A_210] : memref<4096x2048xf32, #tpu.memory_space<hbm>> -> memref<128x2048xf32, #tpu.memory_space<hbm>>
    tpu.wait_dma2 semaphore(%dma_wait3A_205 : memref<!tpu.dma_semaphore, #tpu.memory_space<semaphore_mem>>) src(%dma_wait3A_211 : memref<128x2048xf32, #tpu.memory_space<hbm>>) dst(%dma_wait3A_209 : memref<128x2048xf32, #tpu.memory_space<vmem_shared>>)
    %add3A_212 = arith.constant 256 : i32
    %add3A_213 = arith.addi %mul3A_0, %add3A_212 : i32
    %dma_start3A_214 = arith.constant 2 : i32
    %dma_start3A_215 = arith.constant 0 : i32
    %dma_start3A_216 = arith.constant 2 : i32
    %dma_start3A_217 = arith.constant 0 : i32
    %dma_start3A_218 = tpu.memref_slice %arg5[%dma_start3A_216, %dma_start3A_217] : memref<4x2x!tpu.dma_semaphore, #tpu.memory_space<semaphore_mem>> -> memref<1x1x!tpu.dma_semaphore, #tpu.memory_space<semaphore_mem>>
    %dma_start3A_219 = tpu.memref_squeeze %dma_start3A_218 : memref<1x1x!tpu.dma_semaphore, #tpu.memory_space<semaphore_mem>> -> memref<!tpu.dma_semaphore, #tpu.memory_space<semaphore_mem>>
    %dma_start3A_220 = arith.constant 0 : i32
    %dma_start3A_221 = tpu.memref_slice %arg2[%dma_start3A_215, %add3A_213, %dma_start3A_220] : memref<2x4096x2048xf32, #tpu.memory_space<hbm>> -> memref<1x128x2048xf32, #tpu.memory_space<hbm>>
    %dma_start3A_222 = tpu.memref_squeeze %dma_start3A_221 : memref<1x128x2048xf32, #tpu.memory_space<hbm>> -> memref<128x2048xf32, #tpu.memory_space<hbm>>
    %dma_start3A_223 = arith.constant 0 : i32
    %dma_start3A_224 = arith.constant 0 : i32
    %dma_start3A_225 = tpu.memref_slice %arg3[%dma_start3A_214, %dma_start3A_223, %dma_start3A_224] : memref<4x128x2048xf32, #tpu.memory_space<vmem_shared>> -> memref<1x128x2048xf32, #tpu.memory_space<vmem_shared>>
    %dma_start3A_226 = tpu.memref_squeeze %dma_start3A_225 : memref<1x128x2048xf32, #tpu.memory_space<vmem_shared>> -> memref<128x2048xf32, #tpu.memory_space<vmem_shared>>
    tpu.enqueue_dma source(%dma_start3A_226 : memref<128x2048xf32, #tpu.memory_space<vmem_shared>>) target(%dma_start3A_222 : memref<128x2048xf32, #tpu.memory_space<hbm>>) target_semaphore(%dma_start3A_219 : memref<!tpu.dma_semaphore, #tpu.memory_space<semaphore_mem>>)
    %add3A_227 = arith.constant 256 : i32
    %add3A_228 = arith.addi %mul3A_0, %add3A_227 : i32
    %dma_start3A_229 = arith.constant 2 : i32
    %dma_start3A_230 = arith.constant 1 : i32
    %dma_start3A_231 = arith.constant 2 : i32
    %dma_start3A_232 = arith.constant 1 : i32
    %dma_start3A_233 = tpu.memref_slice %arg5[%dma_start3A_231, %dma_start3A_232] : memref<4x2x!tpu.dma_semaphore, #tpu.memory_space<semaphore_mem>> -> memref<1x1x!tpu.dma_semaphore, #tpu.memory_space<semaphore_mem>>
    %dma_start3A_234 = tpu.memref_squeeze %dma_start3A_233 : memref<1x1x!tpu.dma_semaphore, #tpu.memory_space<semaphore_mem>> -> memref<!tpu.dma_semaphore, #tpu.memory_space<semaphore_mem>>
    %dma_start3A_235 = arith.constant 0 : i32
    %dma_start3A_236 = tpu.memref_slice %arg2[%dma_start3A_230, %add3A_228, %dma_start3A_235] : memref<2x4096x2048xf32, #tpu.memory_space<hbm>> -> memref<1x128x2048xf32, #tpu.memory_space<hbm>>
    %dma_start3A_237 = tpu.memref_squeeze %dma_start3A_236 : memref<1x128x2048xf32, #tpu.memory_space<hbm>> -> memref<128x2048xf32, #tpu.memory_space<hbm>>
    %dma_start3A_238 = arith.constant 0 : i32
    %dma_start3A_239 = arith.constant 0 : i32
    %dma_start3A_240 = tpu.memref_slice %arg3[%dma_start3A_229, %dma_start3A_238, %dma_start3A_239] : memref<4x128x2048xf32, #tpu.memory_space<vmem_shared>> -> memref<1x128x2048xf32, #tpu.memory_space<vmem_shared>>
    %dma_start3A_241 = tpu.memref_squeeze %dma_start3A_240 : memref<1x128x2048xf32, #tpu.memory_space<vmem_shared>> -> memref<128x2048xf32, #tpu.memory_space<vmem_shared>>
    tpu.enqueue_dma source(%dma_start3A_241 : memref<128x2048xf32, #tpu.memory_space<vmem_shared>>) target(%dma_start3A_237 : memref<128x2048xf32, #tpu.memory_space<hbm>>) target_semaphore(%dma_start3A_234 : memref<!tpu.dma_semaphore, #tpu.memory_space<semaphore_mem>>)
    %dma_wait3A_242 = arith.constant 2 : i32
    %dma_wait3A_243 = arith.constant 0 : i32
    %dma_wait3A_244 = arith.constant 2 : i32
    %dma_wait3A_245 = arith.constant 0 : i32
    %dma_wait3A_246 = tpu.memref_slice %arg5[%dma_wait3A_244, %dma_wait3A_245] : memref<4x2x!tpu.dma_semaphore, #tpu.memory_space<semaphore_mem>> -> memref<1x1x!tpu.dma_semaphore, #tpu.memory_space<semaphore_mem>>
    %dma_wait3A_247 = tpu.memref_squeeze %dma_wait3A_246 : memref<1x1x!tpu.dma_semaphore, #tpu.memory_space<semaphore_mem>> -> memref<!tpu.dma_semaphore, #tpu.memory_space<semaphore_mem>>
    %dma_wait3A_248 = arith.constant 0 : i32
    %dma_wait3A_249 = tpu.memref_slice %arg2[%dma_wait3A_243, %add3A_213, %dma_wait3A_248] : memref<2x4096x2048xf32, #tpu.memory_space<hbm>> -> memref<1x128x2048xf32, #tpu.memory_space<hbm>>
    %dma_wait3A_250 = tpu.memref_squeeze %dma_wait3A_249 : memref<1x128x2048xf32, #tpu.memory_space<hbm>> -> memref<128x2048xf32, #tpu.memory_space<hbm>>
    %dma_wait3A_251 = arith.constant 0 : i32
    %dma_wait3A_252 = arith.constant 0 : i32
    %dma_wait3A_253 = tpu.memref_slice %arg3[%dma_wait3A_242, %dma_wait3A_251, %dma_wait3A_252] : memref<4x128x2048xf32, #tpu.memory_space<vmem_shared>> -> memref<1x128x2048xf32, #tpu.memory_space<vmem_shared>>
    %dma_wait3A_254 = tpu.memref_squeeze %dma_wait3A_253 : memref<1x128x2048xf32, #tpu.memory_space<vmem_shared>> -> memref<128x2048xf32, #tpu.memory_space<vmem_shared>>
    tpu.wait_dma2 semaphore(%dma_wait3A_247 : memref<!tpu.dma_semaphore, #tpu.memory_space<semaphore_mem>>) src(%dma_wait3A_254 : memref<128x2048xf32, #tpu.memory_space<vmem_shared>>) dst(%dma_wait3A_250 : memref<128x2048xf32, #tpu.memory_space<hbm>>)
    %dma_wait3A_255 = arith.constant 2 : i32
    %dma_wait3A_256 = arith.constant 1 : i32
    %dma_wait3A_257 = arith.constant 2 : i32
    %dma_wait3A_258 = arith.constant 1 : i32
    %dma_wait3A_259 = tpu.memref_slice %arg5[%dma_wait3A_257, %dma_wait3A_258] : memref<4x2x!tpu.dma_semaphore, #tpu.memory_space<semaphore_mem>> -> memref<1x1x!tpu.dma_semaphore, #tpu.memory_space<semaphore_mem>>
    %dma_wait3A_260 = tpu.memref_squeeze %dma_wait3A_259 : memref<1x1x!tpu.dma_semaphore, #tpu.memory_space<semaphore_mem>> -> memref<!tpu.dma_semaphore, #tpu.memory_space<semaphore_mem>>
    %dma_wait3A_261 = arith.constant 0 : i32
    %dma_wait3A_262 = tpu.memref_slice %arg2[%dma_wait3A_256, %add3A_228, %dma_wait3A_261] : memref<2x4096x2048xf32, #tpu.memory_space<hbm>> -> memref<1x128x2048xf32, #tpu.memory_space<hbm>>
    %dma_wait3A_263 = tpu.memref_squeeze %dma_wait3A_262 : memref<1x128x2048xf32, #tpu.memory_space<hbm>> -> memref<128x2048xf32, #tpu.memory_space<hbm>>
    %dma_wait3A_264 = arith.constant 0 : i32
    %dma_wait3A_265 = arith.constant 0 : i32
    %dma_wait3A_266 = tpu.memref_slice %arg3[%dma_wait3A_255, %dma_wait3A_264, %dma_wait3A_265] : memref<4x128x2048xf32, #tpu.memory_space<vmem_shared>> -> memref<1x128x2048xf32, #tpu.memory_space<vmem_shared>>
    %dma_wait3A_267 = tpu.memref_squeeze %dma_wait3A_266 : memref<1x128x2048xf32, #tpu.memory_space<vmem_shared>> -> memref<128x2048xf32, #tpu.memory_space<vmem_shared>>
    tpu.wait_dma2 semaphore(%dma_wait3A_260 : memref<!tpu.dma_semaphore, #tpu.memory_space<semaphore_mem>>) src(%dma_wait3A_267 : memref<128x2048xf32, #tpu.memory_space<vmem_shared>>) dst(%dma_wait3A_263 : memref<128x2048xf32, #tpu.memory_space<hbm>>)
    %add3A_268 = arith.constant 768 : i32
    %add3A_269 = arith.addi %mul3A_0, %add3A_268 : i32
    %dma_start3A_270 = arith.constant 2 : i32
    %dma_start3A_271 = arith.constant 2 : i32
    %dma_start3A_272 = tpu.memref_slice %arg4[%dma_start3A_271] : memref<4x!tpu.dma_semaphore, #tpu.memory_space<semaphore_mem>> -> memref<1x!tpu.dma_semaphore, #tpu.memory_space<semaphore_mem>>
    %dma_start3A_273 = tpu.memref_squeeze %dma_start3A_272 : memref<1x!tpu.dma_semaphore, #tpu.memory_space<semaphore_mem>> -> memref<!tpu.dma_semaphore, #tpu.memory_space<semaphore_mem>>
    %dma_start3A_274 = arith.constant 0 : i32
    %dma_start3A_275 = arith.constant 0 : i32
    %dma_start3A_276 = tpu.memref_slice %arg3[%dma_start3A_270, %dma_start3A_274, %dma_start3A_275] : memref<4x128x2048xf32, #tpu.memory_space<vmem_shared>> -> memref<1x128x2048xf32, #tpu.memory_space<vmem_shared>>
    %dma_start3A_277 = tpu.memref_squeeze %dma_start3A_276 : memref<1x128x2048xf32, #tpu.memory_space<vmem_shared>> -> memref<128x2048xf32, #tpu.memory_space<vmem_shared>>
    %dma_start3A_278 = arith.constant 0 : i32
    %dma_start3A_279 = tpu.memref_slice %arg1[%add3A_269, %dma_start3A_278] : memref<4096x2048xf32, #tpu.memory_space<hbm>> -> memref<128x2048xf32, #tpu.memory_space<hbm>>
    tpu.enqueue_dma source(%dma_start3A_279 : memref<128x2048xf32, #tpu.memory_space<hbm>>) target(%dma_start3A_277 : memref<128x2048xf32, #tpu.memory_space<vmem_shared>>) target_semaphore(%dma_start3A_273 : memref<!tpu.dma_semaphore, #tpu.memory_space<semaphore_mem>>)
    %dma_wait3A_280 = arith.constant 3 : i32
    %dma_wait3A_281 = arith.constant 3 : i32
    %dma_wait3A_282 = tpu.memref_slice %arg4[%dma_wait3A_281] : memref<4x!tpu.dma_semaphore, #tpu.memory_space<semaphore_mem>> -> memref<1x!tpu.dma_semaphore, #tpu.memory_space<semaphore_mem>>
    %dma_wait3A_283 = tpu.memref_squeeze %dma_wait3A_282 : memref<1x!tpu.dma_semaphore, #tpu.memory_space<semaphore_mem>> -> memref<!tpu.dma_semaphore, #tpu.memory_space<semaphore_mem>>
    %dma_wait3A_284 = arith.constant 0 : i32
    %dma_wait3A_285 = arith.constant 0 : i32
    %dma_wait3A_286 = tpu.memref_slice %arg3[%dma_wait3A_280, %dma_wait3A_284, %dma_wait3A_285] : memref<4x128x2048xf32, #tpu.memory_space<vmem_shared>> -> memref<1x128x2048xf32, #tpu.memory_space<vmem_shared>>
    %dma_wait3A_287 = tpu.memref_squeeze %dma_wait3A_286 : memref<1x128x2048xf32, #tpu.memory_space<vmem_shared>> -> memref<128x2048xf32, #tpu.memory_space<vmem_shared>>
    %dma_wait3A_288 = arith.constant 0 : i32
    %dma_wait3A_289 = tpu.memref_slice %arg1[%add3A_36, %dma_wait3A_288] : memref<4096x2048xf32, #tpu.memory_space<hbm>> -> memref<128x2048xf32, #tpu.memory_space<hbm>>
    tpu.wait_dma2 semaphore(%dma_wait3A_283 : memref<!tpu.dma_semaphore, #tpu.memory_space<semaphore_mem>>) src(%dma_wait3A_289 : memref<128x2048xf32, #tpu.memory_space<hbm>>) dst(%dma_wait3A_287 : memref<128x2048xf32, #tpu.memory_space<vmem_shared>>)
    %add3A_290 = arith.constant 384 : i32
    %add3A_291 = arith.addi %mul3A_0, %add3A_290 : i32
    %dma_start3A_292 = arith.constant 3 : i32
    %dma_start3A_293 = arith.constant 0 : i32
    %dma_start3A_294 = arith.constant 3 : i32
    %dma_start3A_295 = arith.constant 0 : i32
    %dma_start3A_296 = tpu.memref_slice %arg5[%dma_start3A_294, %dma_start3A_295] : memref<4x2x!tpu.dma_semaphore, #tpu.memory_space<semaphore_mem>> -> memref<1x1x!tpu.dma_semaphore, #tpu.memory_space<semaphore_mem>>
    %dma_start3A_297 = tpu.memref_squeeze %dma_start3A_296 : memref<1x1x!tpu.dma_semaphore, #tpu.memory_space<semaphore_mem>> -> memref<!tpu.dma_semaphore, #tpu.memory_space<semaphore_mem>>
    %dma_start3A_298 = arith.constant 0 : i32
    %dma_start3A_299 = tpu.memref_slice %arg2[%dma_start3A_293, %add3A_291, %dma_start3A_298] : memref<2x4096x2048xf32, #tpu.memory_space<hbm>> -> memref<1x128x2048xf32, #tpu.memory_space<hbm>>
    %dma_start3A_300 = tpu.memref_squeeze %dma_start3A_299 : memref<1x128x2048xf32, #tpu.memory_space<hbm>> -> memref<128x2048xf32, #tpu.memory_space<hbm>>
    %dma_start3A_301 = arith.constant 0 : i32
    %dma_start3A_302 = arith.constant 0 : i32
    %dma_start3A_303 = tpu.memref_slice %arg3[%dma_start3A_292, %dma_start3A_301, %dma_start3A_302] : memref<4x128x2048xf32, #tpu.memory_space<vmem_shared>> -> memref<1x128x2048xf32, #tpu.memory_space<vmem_shared>>
    %dma_start3A_304 = tpu.memref_squeeze %dma_start3A_303 : memref<1x128x2048xf32, #tpu.memory_space<vmem_shared>> -> memref<128x2048xf32, #tpu.memory_space<vmem_shared>>
    tpu.enqueue_dma source(%dma_start3A_304 : memref<128x2048xf32, #tpu.memory_space<vmem_shared>>) target(%dma_start3A_300 : memref<128x2048xf32, #tpu.memory_space<hbm>>) target_semaphore(%dma_start3A_297 : memref<!tpu.dma_semaphore, #tpu.memory_space<semaphore_mem>>)
    %add3A_305 = arith.constant 384 : i32
    %add3A_306 = arith.addi %mul3A_0, %add3A_305 : i32
    %dma_start3A_307 = arith.constant 3 : i32
    %dma_start3A_308 = arith.constant 1 : i32
    %dma_start3A_309 = arith.constant 3 : i32
    %dma_start3A_310 = arith.constant 1 : i32
    %dma_start3A_311 = tpu.memref_slice %arg5[%dma_start3A_309, %dma_start3A_310] : memref<4x2x!tpu.dma_semaphore, #tpu.memory_space<semaphore_mem>> -> memref<1x1x!tpu.dma_semaphore, #tpu.memory_space<semaphore_mem>>
    %dma_start3A_312 = tpu.memref_squeeze %dma_start3A_311 : memref<1x1x!tpu.dma_semaphore, #tpu.memory_space<semaphore_mem>> -> memref<!tpu.dma_semaphore, #tpu.memory_space<semaphore_mem>>
    %dma_start3A_313 = arith.constant 0 : i32
    %dma_start3A_314 = tpu.memref_slice %arg2[%dma_start3A_308, %add3A_306, %dma_start3A_313] : memref<2x4096x2048xf32, #tpu.memory_space<hbm>> -> memref<1x128x2048xf32, #tpu.memory_space<hbm>>
    %dma_start3A_315 = tpu.memref_squeeze %dma_start3A_314 : memref<1x128x2048xf32, #tpu.memory_space<hbm>> -> memref<128x2048xf32, #tpu.memory_space<hbm>>
    %dma_start3A_316 = arith.constant 0 : i32
    %dma_start3A_317 = arith.constant 0 : i32
    %dma_start3A_318 = tpu.memref_slice %arg3[%dma_start3A_307, %dma_start3A_316, %dma_start3A_317] : memref<4x128x2048xf32, #tpu.memory_space<vmem_shared>> -> memref<1x128x2048xf32, #tpu.memory_space<vmem_shared>>
    %dma_start3A_319 = tpu.memref_squeeze %dma_start3A_318 : memref<1x128x2048xf32, #tpu.memory_space<vmem_shared>> -> memref<128x2048xf32, #tpu.memory_space<vmem_shared>>
    tpu.enqueue_dma source(%dma_start3A_319 : memref<128x2048xf32, #tpu.memory_space<vmem_shared>>) target(%dma_start3A_315 : memref<128x2048xf32, #tpu.memory_space<hbm>>) target_semaphore(%dma_start3A_312 : memref<!tpu.dma_semaphore, #tpu.memory_space<semaphore_mem>>)
    %dma_wait3A_320 = arith.constant 3 : i32
    %dma_wait3A_321 = arith.constant 0 : i32
    %dma_wait3A_322 = arith.constant 3 : i32
    %dma_wait3A_323 = arith.constant 0 : i32
    %dma_wait3A_324 = tpu.memref_slice %arg5[%dma_wait3A_322, %dma_wait3A_323] : memref<4x2x!tpu.dma_semaphore, #tpu.memory_space<semaphore_mem>> -> memref<1x1x!tpu.dma_semaphore, #tpu.memory_space<semaphore_mem>>
    %dma_wait3A_325 = tpu.memref_squeeze %dma_wait3A_324 : memref<1x1x!tpu.dma_semaphore, #tpu.memory_space<semaphore_mem>> -> memref<!tpu.dma_semaphore, #tpu.memory_space<semaphore_mem>>
    %dma_wait3A_326 = arith.constant 0 : i32
    %dma_wait3A_327 = tpu.memref_slice %arg2[%dma_wait3A_321, %add3A_291, %dma_wait3A_326] : memref<2x4096x2048xf32, #tpu.memory_space<hbm>> -> memref<1x128x2048xf32, #tpu.memory_space<hbm>>
    %dma_wait3A_328 = tpu.memref_squeeze %dma_wait3A_327 : memref<1x128x2048xf32, #tpu.memory_space<hbm>> -> memref<128x2048xf32, #tpu.memory_space<hbm>>
    %dma_wait3A_329 = arith.constant 0 : i32
    %dma_wait3A_330 = arith.constant 0 : i32
    %dma_wait3A_331 = tpu.memref_slice %arg3[%dma_wait3A_320, %dma_wait3A_329, %dma_wait3A_330] : memref<4x128x2048xf32, #tpu.memory_space<vmem_shared>> -> memref<1x128x2048xf32, #tpu.memory_space<vmem_shared>>
    %dma_wait3A_332 = tpu.memref_squeeze %dma_wait3A_331 : memref<1x128x2048xf32, #tpu.memory_space<vmem_shared>> -> memref<128x2048xf32, #tpu.memory_space<vmem_shared>>
    tpu.wait_dma2 semaphore(%dma_wait3A_325 : memref<!tpu.dma_semaphore, #tpu.memory_space<semaphore_mem>>) src(%dma_wait3A_332 : memref<128x2048xf32, #tpu.memory_space<vmem_shared>>) dst(%dma_wait3A_328 : memref<128x2048xf32, #tpu.memory_space<hbm>>)
    %dma_wait3A_333 = arith.constant 3 : i32
    %dma_wait3A_334 = arith.constant 1 : i32
    %dma_wait3A_335 = arith.constant 3 : i32
    %dma_wait3A_336 = arith.constant 1 : i32
    %dma_wait3A_337 = tpu.memref_slice %arg5[%dma_wait3A_335, %dma_wait3A_336] : memref<4x2x!tpu.dma_semaphore, #tpu.memory_space<semaphore_mem>> -> memref<1x1x!tpu.dma_semaphore, #tpu.memory_space<semaphore_mem>>
    %dma_wait3A_338 = tpu.memref_squeeze %dma_wait3A_337 : memref<1x1x!tpu.dma_semaphore, #tpu.memory_space<semaphore_mem>> -> memref<!tpu.dma_semaphore, #tpu.memory_space<semaphore_mem>>
    %dma_wait3A_339 = arith.constant 0 : i32
    %dma_wait3A_340 = tpu.memref_slice %arg2[%dma_wait3A_334, %add3A_306, %dma_wait3A_339] : memref<2x4096x2048xf32, #tpu.memory_space<hbm>> -> memref<1x128x2048xf32, #tpu.memory_space<hbm>>
    %dma_wait3A_341 = tpu.memref_squeeze %dma_wait3A_340 : memref<1x128x2048xf32, #tpu.memory_space<hbm>> -> memref<128x2048xf32, #tpu.memory_space<hbm>>
    %dma_wait3A_342 = arith.constant 0 : i32
    %dma_wait3A_343 = arith.constant 0 : i32
    %dma_wait3A_344 = tpu.memref_slice %arg3[%dma_wait3A_333, %dma_wait3A_342, %dma_wait3A_343] : memref<4x128x2048xf32, #tpu.memory_space<vmem_shared>> -> memref<1x128x2048xf32, #tpu.memory_space<vmem_shared>>
    %dma_wait3A_345 = tpu.memref_squeeze %dma_wait3A_344 : memref<1x128x2048xf32, #tpu.memory_space<vmem_shared>> -> memref<128x2048xf32, #tpu.memory_space<vmem_shared>>
    tpu.wait_dma2 semaphore(%dma_wait3A_338 : memref<!tpu.dma_semaphore, #tpu.memory_space<semaphore_mem>>) src(%dma_wait3A_345 : memref<128x2048xf32, #tpu.memory_space<vmem_shared>>) dst(%dma_wait3A_341 : memref<128x2048xf32, #tpu.memory_space<hbm>>)
    %add3A_346 = arith.constant 896 : i32
    %add3A_347 = arith.addi %mul3A_0, %add3A_346 : i32
    %dma_start3A_348 = arith.constant 3 : i32
    %dma_start3A_349 = arith.constant 3 : i32
    %dma_start3A_350 = tpu.memref_slice %arg4[%dma_start3A_349] : memref<4x!tpu.dma_semaphore, #tpu.memory_space<semaphore_mem>> -> memref<1x!tpu.dma_semaphore, #tpu.memory_space<semaphore_mem>>
    %dma_start3A_351 = tpu.memref_squeeze %dma_start3A_350 : memref<1x!tpu.dma_semaphore, #tpu.memory_space<semaphore_mem>> -> memref<!tpu.dma_semaphore, #tpu.memory_space<semaphore_mem>>
    %dma_start3A_352 = arith.constant 0 : i32
    %dma_start3A_353 = arith.constant 0 : i32
    %dma_start3A_354 = tpu.memref_slice %arg3[%dma_start3A_348, %dma_start3A_352, %dma_start3A_353] : memref<4x128x2048xf32, #tpu.memory_space<vmem_shared>> -> memref<1x128x2048xf32, #tpu.memory_space<vmem_shared>>
    %dma_start3A_355 = tpu.memref_squeeze %dma_start3A_354 : memref<1x128x2048xf32, #tpu.memory_space<vmem_shared>> -> memref<128x2048xf32, #tpu.memory_space<vmem_shared>>
    %dma_start3A_356 = arith.constant 0 : i32
    %dma_start3A_357 = tpu.memref_slice %arg1[%add3A_347, %dma_start3A_356] : memref<4096x2048xf32, #tpu.memory_space<hbm>> -> memref<128x2048xf32, #tpu.memory_space<hbm>>
    tpu.enqueue_dma source(%dma_start3A_357 : memref<128x2048xf32, #tpu.memory_space<hbm>>) target(%dma_start3A_355 : memref<128x2048xf32, #tpu.memory_space<vmem_shared>>) target_semaphore(%dma_start3A_351 : memref<!tpu.dma_semaphore, #tpu.memory_space<semaphore_mem>>)
    %dma_wait3A_358 = arith.constant 0 : i32
    %dma_wait3A_359 = arith.constant 0 : i32
    %dma_wait3A_360 = tpu.memref_slice %arg4[%dma_wait3A_359] : memref<4x!tpu.dma_semaphore, #tpu.memory_space<semaphore_mem>> -> memref<1x!tpu.dma_semaphore, #tpu.memory_space<semaphore_mem>>
    %dma_wait3A_361 = tpu.memref_squeeze %dma_wait3A_360 : memref<1x!tpu.dma_semaphore, #tpu.memory_space<semaphore_mem>> -> memref<!tpu.dma_semaphore, #tpu.memory_space<semaphore_mem>>
    %dma_wait3A_362 = arith.constant 0 : i32
    %dma_wait3A_363 = arith.constant 0 : i32
    %dma_wait3A_364 = tpu.memref_slice %arg3[%dma_wait3A_358, %dma_wait3A_362, %dma_wait3A_363] : memref<4x128x2048xf32, #tpu.memory_space<vmem_shared>> -> memref<1x128x2048xf32, #tpu.memory_space<vmem_shared>>
    %dma_wait3A_365 = tpu.memref_squeeze %dma_wait3A_364 : memref<1x128x2048xf32, #tpu.memory_space<vmem_shared>> -> memref<128x2048xf32, #tpu.memory_space<vmem_shared>>
    %dma_wait3A_366 = arith.constant 0 : i32
    %dma_wait3A_367 = tpu.memref_slice %arg1[%add3A_113, %dma_wait3A_366] : memref<4096x2048xf32, #tpu.memory_space<hbm>> -> memref<128x2048xf32, #tpu.memory_space<hbm>>
    tpu.wait_dma2 semaphore(%dma_wait3A_361 : memref<!tpu.dma_semaphore, #tpu.memory_space<semaphore_mem>>) src(%dma_wait3A_367 : memref<128x2048xf32, #tpu.memory_space<hbm>>) dst(%dma_wait3A_365 : memref<128x2048xf32, #tpu.memory_space<vmem_shared>>)
    %add3A_368 = arith.constant 512 : i32
    %add3A_369 = arith.addi %mul3A_0, %add3A_368 : i32
    %dma_start3A_370 = arith.constant 0 : i32
    %dma_start3A_371 = arith.constant 0 : i32
    %dma_start3A_372 = arith.constant 0 : i32
    %dma_start3A_373 = arith.constant 0 : i32
    %dma_start3A_374 = tpu.memref_slice %arg5[%dma_start3A_372, %dma_start3A_373] : memref<4x2x!tpu.dma_semaphore, #tpu.memory_space<semaphore_mem>> -> memref<1x1x!tpu.dma_semaphore, #tpu.memory_space<semaphore_mem>>
    %dma_start3A_375 = tpu.memref_squeeze %dma_start3A_374 : memref<1x1x!tpu.dma_semaphore, #tpu.memory_space<semaphore_mem>> -> memref<!tpu.dma_semaphore, #tpu.memory_space<semaphore_mem>>
    %dma_start3A_376 = arith.constant 0 : i32
    %dma_start3A_377 = tpu.memref_slice %arg2[%dma_start3A_371, %add3A_369, %dma_start3A_376] : memref<2x4096x2048xf32, #tpu.memory_space<hbm>> -> memref<1x128x2048xf32, #tpu.memory_space<hbm>>
    %dma_start3A_378 = tpu.memref_squeeze %dma_start3A_377 : memref<1x128x2048xf32, #tpu.memory_space<hbm>> -> memref<128x2048xf32, #tpu.memory_space<hbm>>
    %dma_start3A_379 = arith.constant 0 : i32
    %dma_start3A_380 = arith.constant 0 : i32
    %dma_start3A_381 = tpu.memref_slice %arg3[%dma_start3A_370, %dma_start3A_379, %dma_start3A_380] : memref<4x128x2048xf32, #tpu.memory_space<vmem_shared>> -> memref<1x128x2048xf32, #tpu.memory_space<vmem_shared>>
    %dma_start3A_382 = tpu.memref_squeeze %dma_start3A_381 : memref<1x128x2048xf32, #tpu.memory_space<vmem_shared>> -> memref<128x2048xf32, #tpu.memory_space<vmem_shared>>
    tpu.enqueue_dma source(%dma_start3A_382 : memref<128x2048xf32, #tpu.memory_space<vmem_shared>>) target(%dma_start3A_378 : memref<128x2048xf32, #tpu.memory_space<hbm>>) target_semaphore(%dma_start3A_375 : memref<!tpu.dma_semaphore, #tpu.memory_space<semaphore_mem>>)
    %add3A_383 = arith.constant 512 : i32
    %add3A_384 = arith.addi %mul3A_0, %add3A_383 : i32
    %dma_start3A_385 = arith.constant 0 : i32
    %dma_start3A_386 = arith.constant 1 : i32
    %dma_start3A_387 = arith.constant 0 : i32
    %dma_start3A_388 = arith.constant 1 : i32
    %dma_start3A_389 = tpu.memref_slice %arg5[%dma_start3A_387, %dma_start3A_388] : memref<4x2x!tpu.dma_semaphore, #tpu.memory_space<semaphore_mem>> -> memref<1x1x!tpu.dma_semaphore, #tpu.memory_space<semaphore_mem>>
    %dma_start3A_390 = tpu.memref_squeeze %dma_start3A_389 : memref<1x1x!tpu.dma_semaphore, #tpu.memory_space<semaphore_mem>> -> memref<!tpu.dma_semaphore, #tpu.memory_space<semaphore_mem>>
    %dma_start3A_391 = arith.constant 0 : i32
    %dma_start3A_392 = tpu.memref_slice %arg2[%dma_start3A_386, %add3A_384, %dma_start3A_391] : memref<2x4096x2048xf32, #tpu.memory_space<hbm>> -> memref<1x128x2048xf32, #tpu.memory_space<hbm>>
    %dma_start3A_393 = tpu.memref_squeeze %dma_start3A_392 : memref<1x128x2048xf32, #tpu.memory_space<hbm>> -> memref<128x2048xf32, #tpu.memory_space<hbm>>
    %dma_start3A_394 = arith.constant 0 : i32
    %dma_start3A_395 = arith.constant 0 : i32
    %dma_start3A_396 = tpu.memref_slice %arg3[%dma_start3A_385, %dma_start3A_394, %dma_start3A_395] : memref<4x128x2048xf32, #tpu.memory_space<vmem_shared>> -> memref<1x128x2048xf32, #tpu.memory_space<vmem_shared>>
    %dma_start3A_397 = tpu.memref_squeeze %dma_start3A_396 : memref<1x128x2048xf32, #tpu.memory_space<vmem_shared>> -> memref<128x2048xf32, #tpu.memory_space<vmem_shared>>
    tpu.enqueue_dma source(%dma_start3A_397 : memref<128x2048xf32, #tpu.memory_space<vmem_shared>>) target(%dma_start3A_393 : memref<128x2048xf32, #tpu.memory_space<hbm>>) target_semaphore(%dma_start3A_390 : memref<!tpu.dma_semaphore, #tpu.memory_space<semaphore_mem>>)
    %dma_wait3A_398 = arith.constant 0 : i32
    %dma_wait3A_399 = arith.constant 0 : i32
    %dma_wait3A_400 = arith.constant 0 : i32
    %dma_wait3A_401 = arith.constant 0 : i32
    %dma_wait3A_402 = tpu.memref_slice %arg5[%dma_wait3A_400, %dma_wait3A_401] : memref<4x2x!tpu.dma_semaphore, #tpu.memory_space<semaphore_mem>> -> memref<1x1x!tpu.dma_semaphore, #tpu.memory_space<semaphore_mem>>
    %dma_wait3A_403 = tpu.memref_squeeze %dma_wait3A_402 : memref<1x1x!tpu.dma_semaphore, #tpu.memory_space<semaphore_mem>> -> memref<!tpu.dma_semaphore, #tpu.memory_space<semaphore_mem>>
    %dma_wait3A_404 = arith.constant 0 : i32
    %dma_wait3A_405 = tpu.memref_slice %arg2[%dma_wait3A_399, %add3A_369, %dma_wait3A_404] : memref<2x4096x2048xf32, #tpu.memory_space<hbm>> -> memref<1x128x2048xf32, #tpu.memory_space<hbm>>
    %dma_wait3A_406 = tpu.memref_squeeze %dma_wait3A_405 : memref<1x128x2048xf32, #tpu.memory_space<hbm>> -> memref<128x2048xf32, #tpu.memory_space<hbm>>
    %dma_wait3A_407 = arith.constant 0 : i32
    %dma_wait3A_408 = arith.constant 0 : i32
    %dma_wait3A_409 = tpu.memref_slice %arg3[%dma_wait3A_398, %dma_wait3A_407, %dma_wait3A_408] : memref<4x128x2048xf32, #tpu.memory_space<vmem_shared>> -> memref<1x128x2048xf32, #tpu.memory_space<vmem_shared>>
    %dma_wait3A_410 = tpu.memref_squeeze %dma_wait3A_409 : memref<1x128x2048xf32, #tpu.memory_space<vmem_shared>> -> memref<128x2048xf32, #tpu.memory_space<vmem_shared>>
    tpu.wait_dma2 semaphore(%dma_wait3A_403 : memref<!tpu.dma_semaphore, #tpu.memory_space<semaphore_mem>>) src(%dma_wait3A_410 : memref<128x2048xf32, #tpu.memory_space<vmem_shared>>) dst(%dma_wait3A_406 : memref<128x2048xf32, #tpu.memory_space<hbm>>)
    %dma_wait3A_411 = arith.constant 0 : i32
    %dma_wait3A_412 = arith.constant 1 : i32
    %dma_wait3A_413 = arith.constant 0 : i32
    %dma_wait3A_414 = arith.constant 1 : i32
    %dma_wait3A_415 = tpu.memref_slice %arg5[%dma_wait3A_413, %dma_wait3A_414] : memref<4x2x!tpu.dma_semaphore, #tpu.memory_space<semaphore_mem>> -> memref<1x1x!tpu.dma_semaphore, #tpu.memory_space<semaphore_mem>>
    %dma_wait3A_416 = tpu.memref_squeeze %dma_wait3A_415 : memref<1x1x!tpu.dma_semaphore, #tpu.memory_space<semaphore_mem>> -> memref<!tpu.dma_semaphore, #tpu.memory_space<semaphore_mem>>
    %dma_wait3A_417 = arith.constant 0 : i32
    %dma_wait3A_418 = tpu.memref_slice %arg2[%dma_wait3A_412, %add3A_384, %dma_wait3A_417] : memref<2x4096x2048xf32, #tpu.memory_space<hbm>> -> memref<1x128x2048xf32, #tpu.memory_space<hbm>>
    %dma_wait3A_419 = tpu.memref_squeeze %dma_wait3A_418 : memref<1x128x2048xf32, #tpu.memory_space<hbm>> -> memref<128x2048xf32, #tpu.memory_space<hbm>>
    %dma_wait3A_420 = arith.constant 0 : i32
    %dma_wait3A_421 = arith.constant 0 : i32
    %dma_wait3A_422 = tpu.memref_slice %arg3[%dma_wait3A_411, %dma_wait3A_420, %dma_wait3A_421] : memref<4x128x2048xf32, #tpu.memory_space<vmem_shared>> -> memref<1x128x2048xf32, #tpu.memory_space<vmem_shared>>
    %dma_wait3A_423 = tpu.memref_squeeze %dma_wait3A_422 : memref<1x128x2048xf32, #tpu.memory_space<vmem_shared>> -> memref<128x2048xf32, #tpu.memory_space<vmem_shared>>
    tpu.wait_dma2 semaphore(%dma_wait3A_416 : memref<!tpu.dma_semaphore, #tpu.memory_space<semaphore_mem>>) src(%dma_wait3A_423 : memref<128x2048xf32, #tpu.memory_space<vmem_shared>>) dst(%dma_wait3A_419 : memref<128x2048xf32, #tpu.memory_space<hbm>>)
    %add3A_424 = arith.constant 1024 : i32
    %add3A_425 = arith.addi %mul3A_0, %add3A_424 : i32
    %dma_start3A_426 = arith.constant 0 : i32
    %dma_start3A_427 = arith.constant 0 : i32
    %dma_start3A_428 = tpu.memref_slice %arg4[%dma_start3A_427] : memref<4x!tpu.dma_semaphore, #tpu.memory_space<semaphore_mem>> -> memref<1x!tpu.dma_semaphore, #tpu.memory_space<semaphore_mem>>
    %dma_start3A_429 = tpu.memref_squeeze %dma_start3A_428 : memref<1x!tpu.dma_semaphore, #tpu.memory_space<semaphore_mem>> -> memref<!tpu.dma_semaphore, #tpu.memory_space<semaphore_mem>>
    %dma_start3A_430 = arith.constant 0 : i32
    %dma_start3A_431 = arith.constant 0 : i32
    %dma_start3A_432 = tpu.memref_slice %arg3[%dma_start3A_426, %dma_start3A_430, %dma_start3A_431] : memref<4x128x2048xf32, #tpu.memory_space<vmem_shared>> -> memref<1x128x2048xf32, #tpu.memory_space<vmem_shared>>
    %dma_start3A_433 = tpu.memref_squeeze %dma_start3A_432 : memref<1x128x2048xf32, #tpu.memory_space<vmem_shared>> -> memref<128x2048xf32, #tpu.memory_space<vmem_shared>>
    %dma_start3A_434 = arith.constant 0 : i32
    %dma_start3A_435 = tpu.memref_slice %arg1[%add3A_425, %dma_start3A_434] : memref<4096x2048xf32, #tpu.memory_space<hbm>> -> memref<128x2048xf32, #tpu.memory_space<hbm>>
    tpu.enqueue_dma source(%dma_start3A_435 : memref<128x2048xf32, #tpu.memory_space<hbm>>) target(%dma_start3A_433 : memref<128x2048xf32, #tpu.memory_space<vmem_shared>>) target_semaphore(%dma_start3A_429 : memref<!tpu.dma_semaphore, #tpu.memory_space<semaphore_mem>>)
    %dma_wait3A_436 = arith.constant 1 : i32
    %dma_wait3A_437 = arith.constant 1 : i32
    %dma_wait3A_438 = tpu.memref_slice %arg4[%dma_wait3A_437] : memref<4x!tpu.dma_semaphore, #tpu.memory_space<semaphore_mem>> -> memref<1x!tpu.dma_semaphore, #tpu.memory_space<semaphore_mem>>
    %dma_wait3A_439 = tpu.memref_squeeze %dma_wait3A_438 : memref<1x!tpu.dma_semaphore, #tpu.memory_space<semaphore_mem>> -> memref<!tpu.dma_semaphore, #tpu.memory_space<semaphore_mem>>
    %dma_wait3A_440 = arith.constant 0 : i32
    %dma_wait3A_441 = arith.constant 0 : i32
    %dma_wait3A_442 = tpu.memref_slice %arg3[%dma_wait3A_436, %dma_wait3A_440, %dma_wait3A_441] : memref<4x128x2048xf32, #tpu.memory_space<vmem_shared>> -> memref<1x128x2048xf32, #tpu.memory_space<vmem_shared>>
    %dma_wait3A_443 = tpu.memref_squeeze %dma_wait3A_442 : memref<1x128x2048xf32, #tpu.memory_space<vmem_shared>> -> memref<128x2048xf32, #tpu.memory_space<vmem_shared>>
    %dma_wait3A_444 = arith.constant 0 : i32
    %dma_wait3A_445 = tpu.memref_slice %arg1[%add3A_191, %dma_wait3A_444] : memref<4096x2048xf32, #tpu.memory_space<hbm>> -> memref<128x2048xf32, #tpu.memory_space<hbm>>
    tpu.wait_dma2 semaphore(%dma_wait3A_439 : memref<!tpu.dma_semaphore, #tpu.memory_space<semaphore_mem>>) src(%dma_wait3A_445 : memref<128x2048xf32, #tpu.memory_space<hbm>>) dst(%dma_wait3A_443 : memref<128x2048xf32, #tpu.memory_space<vmem_shared>>)
    %add3A_446 = arith.constant 640 : i32
    %add3A_447 = arith.addi %mul3A_0, %add3A_446 : i32
    %dma_start3A_448 = arith.constant 1 : i32
    %dma_start3A_449 = arith.constant 0 : i32
    %dma_start3A_450 = arith.constant 1 : i32
    %dma_start3A_451 = arith.constant 0 : i32
    %dma_start3A_452 = tpu.memref_slice %arg5[%dma_start3A_450, %dma_start3A_451] : memref<4x2x!tpu.dma_semaphore, #tpu.memory_space<semaphore_mem>> -> memref<1x1x!tpu.dma_semaphore, #tpu.memory_space<semaphore_mem>>
    %dma_start3A_453 = tpu.memref_squeeze %dma_start3A_452 : memref<1x1x!tpu.dma_semaphore, #tpu.memory_space<semaphore_mem>> -> memref<!tpu.dma_semaphore, #tpu.memory_space<semaphore_mem>>
    %dma_start3A_454 = arith.constant 0 : i32
    %dma_start3A_455 = tpu.memref_slice %arg2[%dma_start3A_449, %add3A_447, %dma_start3A_454] : memref<2x4096x2048xf32, #tpu.memory_space<hbm>> -> memref<1x128x2048xf32, #tpu.memory_space<hbm>>
    %dma_start3A_456 = tpu.memref_squeeze %dma_start3A_455 : memref<1x128x2048xf32, #tpu.memory_space<hbm>> -> memref<128x2048xf32, #tpu.memory_space<hbm>>
    %dma_start3A_457 = arith.constant 0 : i32
    %dma_start3A_458 = arith.constant 0 : i32
    %dma_start3A_459 = tpu.memref_slice %arg3[%dma_start3A_448, %dma_start3A_457, %dma_start3A_458] : memref<4x128x2048xf32, #tpu.memory_space<vmem_shared>> -> memref<1x128x2048xf32, #tpu.memory_space<vmem_shared>>
    %dma_start3A_460 = tpu.memref_squeeze %dma_start3A_459 : memref<1x128x2048xf32, #tpu.memory_space<vmem_shared>> -> memref<128x2048xf32, #tpu.memory_space<vmem_shared>>
    tpu.enqueue_dma source(%dma_start3A_460 : memref<128x2048xf32, #tpu.memory_space<vmem_shared>>) target(%dma_start3A_456 : memref<128x2048xf32, #tpu.memory_space<hbm>>) target_semaphore(%dma_start3A_453 : memref<!tpu.dma_semaphore, #tpu.memory_space<semaphore_mem>>)
    %add3A_461 = arith.constant 640 : i32
    %add3A_462 = arith.addi %mul3A_0, %add3A_461 : i32
    %dma_start3A_463 = arith.constant 1 : i32
    %dma_start3A_464 = arith.constant 1 : i32
    %dma_start3A_465 = arith.constant 1 : i32
    %dma_start3A_466 = arith.constant 1 : i32
    %dma_start3A_467 = tpu.memref_slice %arg5[%dma_start3A_465, %dma_start3A_466] : memref<4x2x!tpu.dma_semaphore, #tpu.memory_space<semaphore_mem>> -> memref<1x1x!tpu.dma_semaphore, #tpu.memory_space<semaphore_mem>>
    %dma_start3A_468 = tpu.memref_squeeze %dma_start3A_467 : memref<1x1x!tpu.dma_semaphore, #tpu.memory_space<semaphore_mem>> -> memref<!tpu.dma_semaphore, #tpu.memory_space<semaphore_mem>>
    %dma_start3A_469 = arith.constant 0 : i32
    %dma_start3A_470 = tpu.memref_slice %arg2[%dma_start3A_464, %add3A_462, %dma_start3A_469] : memref<2x4096x2048xf32, #tpu.memory_space<hbm>> -> memref<1x128x2048xf32, #tpu.memory_space<hbm>>
    %dma_start3A_471 = tpu.memref_squeeze %dma_start3A_470 : memref<1x128x2048xf32, #tpu.memory_space<hbm>> -> memref<128x2048xf32, #tpu.memory_space<hbm>>
    %dma_start3A_472 = arith.constant 0 : i32
    %dma_start3A_473 = arith.constant 0 : i32
    %dma_start3A_474 = tpu.memref_slice %arg3[%dma_start3A_463, %dma_start3A_472, %dma_start3A_473] : memref<4x128x2048xf32, #tpu.memory_space<vmem_shared>> -> memref<1x128x2048xf32, #tpu.memory_space<vmem_shared>>
    %dma_start3A_475 = tpu.memref_squeeze %dma_start3A_474 : memref<1x128x2048xf32, #tpu.memory_space<vmem_shared>> -> memref<128x2048xf32, #tpu.memory_space<vmem_shared>>
    tpu.enqueue_dma source(%dma_start3A_475 : memref<128x2048xf32, #tpu.memory_space<vmem_shared>>) target(%dma_start3A_471 : memref<128x2048xf32, #tpu.memory_space<hbm>>) target_semaphore(%dma_start3A_468 : memref<!tpu.dma_semaphore, #tpu.memory_space<semaphore_mem>>)
    %dma_wait3A_476 = arith.constant 1 : i32
    %dma_wait3A_477 = arith.constant 0 : i32
    %dma_wait3A_478 = arith.constant 1 : i32
    %dma_wait3A_479 = arith.constant 0 : i32
    %dma_wait3A_480 = tpu.memref_slice %arg5[%dma_wait3A_478, %dma_wait3A_479] : memref<4x2x!tpu.dma_semaphore, #tpu.memory_space<semaphore_mem>> -> memref<1x1x!tpu.dma_semaphore, #tpu.memory_space<semaphore_mem>>
    %dma_wait3A_481 = tpu.memref_squeeze %dma_wait3A_480 : memref<1x1x!tpu.dma_semaphore, #tpu.memory_space<semaphore_mem>> -> memref<!tpu.dma_semaphore, #tpu.memory_space<semaphore_mem>>
    %dma_wait3A_482 = arith.constant 0 : i32
    %dma_wait3A_483 = tpu.memref_slice %arg2[%dma_wait3A_477, %add3A_447, %dma_wait3A_482] : memref<2x4096x2048xf32, #tpu.memory_space<hbm>> -> memref<1x128x2048xf32, #tpu.memory_space<hbm>>
    %dma_wait3A_484 = tpu.memref_squeeze %dma_wait3A_483 : memref<1x128x2048xf32, #tpu.memory_space<hbm>> -> memref<128x2048xf32, #tpu.memory_space<hbm>>
    %dma_wait3A_485 = arith.constant 0 : i32
    %dma_wait3A_486 = arith.constant 0 : i32
    %dma_wait3A_487 = tpu.memref_slice %arg3[%dma_wait3A_476, %dma_wait3A_485, %dma_wait3A_486] : memref<4x128x2048xf32, #tpu.memory_space<vmem_shared>> -> memref<1x128x2048xf32, #tpu.memory_space<vmem_shared>>
    %dma_wait3A_488 = tpu.memref_squeeze %dma_wait3A_487 : memref<1x128x2048xf32, #tpu.memory_space<vmem_shared>> -> memref<128x2048xf32, #tpu.memory_space<vmem_shared>>
    tpu.wait_dma2 semaphore(%dma_wait3A_481 : memref<!tpu.dma_semaphore, #tpu.memory_space<semaphore_mem>>) src(%dma_wait3A_488 : memref<128x2048xf32, #tpu.memory_space<vmem_shared>>) dst(%dma_wait3A_484 : memref<128x2048xf32, #tpu.memory_space<hbm>>)
    %dma_wait3A_489 = arith.constant 1 : i32
    %dma_wait3A_490 = arith.constant 1 : i32
    %dma_wait3A_491 = arith.constant 1 : i32
    %dma_wait3A_492 = arith.constant 1 : i32
    %dma_wait3A_493 = tpu.memref_slice %arg5[%dma_wait3A_491, %dma_wait3A_492] : memref<4x2x!tpu.dma_semaphore, #tpu.memory_space<semaphore_mem>> -> memref<1x1x!tpu.dma_semaphore, #tpu.memory_space<semaphore_mem>>
    %dma_wait3A_494 = tpu.memref_squeeze %dma_wait3A_493 : memref<1x1x!tpu.dma_semaphore, #tpu.memory_space<semaphore_mem>> -> memref<!tpu.dma_semaphore, #tpu.memory_space<semaphore_mem>>
    %dma_wait3A_495 = arith.constant 0 : i32
    %dma_wait3A_496 = tpu.memref_slice %arg2[%dma_wait3A_490, %add3A_462, %dma_wait3A_495] : memref<2x4096x2048xf32, #tpu.memory_space<hbm>> -> memref<1x128x2048xf32, #tpu.memory_space<hbm>>
    %dma_wait3A_497 = tpu.memref_squeeze %dma_wait3A_496 : memref<1x128x2048xf32, #tpu.memory_space<hbm>> -> memref<128x2048xf32, #tpu.memory_space<hbm>>
    %dma_wait3A_498 = arith.constant 0 : i32
    %dma_wait3A_499 = arith.constant 0 : i32
    %dma_wait3A_500 = tpu.memref_slice %arg3[%dma_wait3A_489, %dma_wait3A_498, %dma_wait3A_499] : memref<4x128x2048xf32, #tpu.memory_space<vmem_shared>> -> memref<1x128x2048xf32, #tpu.memory_space<vmem_shared>>
    %dma_wait3A_501 = tpu.memref_squeeze %dma_wait3A_500 : memref<1x128x2048xf32, #tpu.memory_space<vmem_shared>> -> memref<128x2048xf32, #tpu.memory_space<vmem_shared>>
    tpu.wait_dma2 semaphore(%dma_wait3A_494 : memref<!tpu.dma_semaphore, #tpu.memory_space<semaphore_mem>>) src(%dma_wait3A_501 : memref<128x2048xf32, #tpu.memory_space<vmem_shared>>) dst(%dma_wait3A_497 : memref<128x2048xf32, #tpu.memory_space<hbm>>)
    %add3A_502 = arith.constant 1152 : i32
    %add3A_503 = arith.addi %mul3A_0, %add3A_502 : i32
    %dma_start3A_504 = arith.constant 1 : i32
    %dma_start3A_505 = arith.constant 1 : i32
    %dma_start3A_506 = tpu.memref_slice %arg4[%dma_start3A_505] : memref<4x!tpu.dma_semaphore, #tpu.memory_space<semaphore_mem>> -> memref<1x!tpu.dma_semaphore, #tpu.memory_space<semaphore_mem>>
    %dma_start3A_507 = tpu.memref_squeeze %dma_start3A_506 : memref<1x!tpu.dma_semaphore, #tpu.memory_space<semaphore_mem>> -> memref<!tpu.dma_semaphore, #tpu.memory_space<semaphore_mem>>
    %dma_start3A_508 = arith.constant 0 : i32
    %dma_start3A_509 = arith.constant 0 : i32
    %dma_start3A_510 = tpu.memref_slice %arg3[%dma_start3A_504, %dma_start3A_508, %dma_start3A_509] : memref<4x128x2048xf32, #tpu.memory_space<vmem_shared>> -> memref<1x128x2048xf32, #tpu.memory_space<vmem_shared>>
    %dma_start3A_511 = tpu.memref_squeeze %dma_start3A_510 : memref<1x128x2048xf32, #tpu.memory_space<vmem_shared>> -> memref<128x2048xf32, #tpu.memory_space<vmem_shared>>
    %dma_start3A_512 = arith.constant 0 : i32
    %dma_start3A_513 = tpu.memref_slice %arg1[%add3A_503, %dma_start3A_512] : memref<4096x2048xf32, #tpu.memory_space<hbm>> -> memref<128x2048xf32, #tpu.memory_space<hbm>>
    tpu.enqueue_dma source(%dma_start3A_513 : memref<128x2048xf32, #tpu.memory_space<hbm>>) target(%dma_start3A_511 : memref<128x2048xf32, #tpu.memory_space<vmem_shared>>) target_semaphore(%dma_start3A_507 : memref<!tpu.dma_semaphore, #tpu.memory_space<semaphore_mem>>)
    %dma_wait3A_514 = arith.constant 2 : i32
    %dma_wait3A_515 = arith.constant 2 : i32
    %dma_wait3A_516 = tpu.memref_slice %arg4[%dma_wait3A_515] : memref<4x!tpu.dma_semaphore, #tpu.memory_space<semaphore_mem>> -> memref<1x!tpu.dma_semaphore, #tpu.memory_space<semaphore_mem>>
    %dma_wait3A_517 = tpu.memref_squeeze %dma_wait3A_516 : memref<1x!tpu.dma_semaphore, #tpu.memory_space<semaphore_mem>> -> memref<!tpu.dma_semaphore, #tpu.memory_space<semaphore_mem>>
    %dma_wait3A_518 = arith.constant 0 : i32
    %dma_wait3A_519 = arith.constant 0 : i32
    %dma_wait3A_520 = tpu.memref_slice %arg3[%dma_wait3A_514, %dma_wait3A_518, %dma_wait3A_519] : memref<4x128x2048xf32, #tpu.memory_space<vmem_shared>> -> memref<1x128x2048xf32, #tpu.memory_space<vmem_shared>>
    %dma_wait3A_521 = tpu.memref_squeeze %dma_wait3A_520 : memref<1x128x2048xf32, #tpu.memory_space<vmem_shared>> -> memref<128x2048xf32, #tpu.memory_space<vmem_shared>>
    %dma_wait3A_522 = arith.constant 0 : i32
    %dma_wait3A_523 = tpu.memref_slice %arg1[%add3A_269, %dma_wait3A_522] : memref<4096x2048xf32, #tpu.memory_space<hbm>> -> memref<128x2048xf32, #tpu.memory_space<hbm>>
    tpu.wait_dma2 semaphore(%dma_wait3A_517 : memref<!tpu.dma_semaphore, #tpu.memory_space<semaphore_mem>>) src(%dma_wait3A_523 : memref<128x2048xf32, #tpu.memory_space<hbm>>) dst(%dma_wait3A_521 : memref<128x2048xf32, #tpu.memory_space<vmem_shared>>)
    %add3A_524 = arith.constant 768 : i32
    %add3A_525 = arith.addi %mul3A_0, %add3A_524 : i32
    %dma_start3A_526 = arith.constant 2 : i32
    %dma_start3A_527 = arith.constant 0 : i32
    %dma_start3A_528 = arith.constant 2 : i32
    %dma_start3A_529 = arith.constant 0 : i32
    %dma_start3A_530 = tpu.memref_slice %arg5[%dma_start3A_528, %dma_start3A_529] : memref<4x2x!tpu.dma_semaphore, #tpu.memory_space<semaphore_mem>> -> memref<1x1x!tpu.dma_semaphore, #tpu.memory_space<semaphore_mem>>
    %dma_start3A_531 = tpu.memref_squeeze %dma_start3A_530 : memref<1x1x!tpu.dma_semaphore, #tpu.memory_space<semaphore_mem>> -> memref<!tpu.dma_semaphore, #tpu.memory_space<semaphore_mem>>
    %dma_start3A_532 = arith.constant 0 : i32
    %dma_start3A_533 = tpu.memref_slice %arg2[%dma_start3A_527, %add3A_525, %dma_start3A_532] : memref<2x4096x2048xf32, #tpu.memory_space<hbm>> -> memref<1x128x2048xf32, #tpu.memory_space<hbm>>
    %dma_start3A_534 = tpu.memref_squeeze %dma_start3A_533 : memref<1x128x2048xf32, #tpu.memory_space<hbm>> -> memref<128x2048xf32, #tpu.memory_space<hbm>>
    %dma_start3A_535 = arith.constant 0 : i32
    %dma_start3A_536 = arith.constant 0 : i32
    %dma_start3A_537 = tpu.memref_slice %arg3[%dma_start3A_526, %dma_start3A_535, %dma_start3A_536] : memref<4x128x2048xf32, #tpu.memory_space<vmem_shared>> -> memref<1x128x2048xf32, #tpu.memory_space<vmem_shared>>
    %dma_start3A_538 = tpu.memref_squeeze %dma_start3A_537 : memref<1x128x2048xf32, #tpu.memory_space<vmem_shared>> -> memref<128x2048xf32, #tpu.memory_space<vmem_shared>>
    tpu.enqueue_dma source(%dma_start3A_538 : memref<128x2048xf32, #tpu.memory_space<vmem_shared>>) target(%dma_start3A_534 : memref<128x2048xf32, #tpu.memory_space<hbm>>) target_semaphore(%dma_start3A_531 : memref<!tpu.dma_semaphore, #tpu.memory_space<semaphore_mem>>)
    %add3A_539 = arith.constant 768 : i32
    %add3A_540 = arith.addi %mul3A_0, %add3A_539 : i32
    %dma_start3A_541 = arith.constant 2 : i32
    %dma_start3A_542 = arith.constant 1 : i32
    %dma_start3A_543 = arith.constant 2 : i32
    %dma_start3A_544 = arith.constant 1 : i32
    %dma_start3A_545 = tpu.memref_slice %arg5[%dma_start3A_543, %dma_start3A_544] : memref<4x2x!tpu.dma_semaphore, #tpu.memory_space<semaphore_mem>> -> memref<1x1x!tpu.dma_semaphore, #tpu.memory_space<semaphore_mem>>
    %dma_start3A_546 = tpu.memref_squeeze %dma_start3A_545 : memref<1x1x!tpu.dma_semaphore, #tpu.memory_space<semaphore_mem>> -> memref<!tpu.dma_semaphore, #tpu.memory_space<semaphore_mem>>
    %dma_start3A_547 = arith.constant 0 : i32
    %dma_start3A_548 = tpu.memref_slice %arg2[%dma_start3A_542, %add3A_540, %dma_start3A_547] : memref<2x4096x2048xf32, #tpu.memory_space<hbm>> -> memref<1x128x2048xf32, #tpu.memory_space<hbm>>
    %dma_start3A_549 = tpu.memref_squeeze %dma_start3A_548 : memref<1x128x2048xf32, #tpu.memory_space<hbm>> -> memref<128x2048xf32, #tpu.memory_space<hbm>>
    %dma_start3A_550 = arith.constant 0 : i32
    %dma_start3A_551 = arith.constant 0 : i32
    %dma_start3A_552 = tpu.memref_slice %arg3[%dma_start3A_541, %dma_start3A_550, %dma_start3A_551] : memref<4x128x2048xf32, #tpu.memory_space<vmem_shared>> -> memref<1x128x2048xf32, #tpu.memory_space<vmem_shared>>
    %dma_start3A_553 = tpu.memref_squeeze %dma_start3A_552 : memref<1x128x2048xf32, #tpu.memory_space<vmem_shared>> -> memref<128x2048xf32, #tpu.memory_space<vmem_shared>>
    tpu.enqueue_dma source(%dma_start3A_553 : memref<128x2048xf32, #tpu.memory_space<vmem_shared>>) target(%dma_start3A_549 : memref<128x2048xf32, #tpu.memory_space<hbm>>) target_semaphore(%dma_start3A_546 : memref<!tpu.dma_semaphore, #tpu.memory_space<semaphore_mem>>)
    %dma_wait3A_554 = arith.constant 2 : i32
    %dma_wait3A_555 = arith.constant 0 : i32
    %dma_wait3A_556 = arith.constant 2 : i32
    %dma_wait3A_557 = arith.constant 0 : i32
    %dma_wait3A_558 = tpu.memref_slice %arg5[%dma_wait3A_556, %dma_wait3A_557] : memref<4x2x!tpu.dma_semaphore, #tpu.memory_space<semaphore_mem>> -> memref<1x1x!tpu.dma_semaphore, #tpu.memory_space<semaphore_mem>>
    %dma_wait3A_559 = tpu.memref_squeeze %dma_wait3A_558 : memref<1x1x!tpu.dma_semaphore, #tpu.memory_space<semaphore_mem>> -> memref<!tpu.dma_semaphore, #tpu.memory_space<semaphore_mem>>
    %dma_wait3A_560 = arith.constant 0 : i32
    %dma_wait3A_561 = tpu.memref_slice %arg2[%dma_wait3A_555, %add3A_525, %dma_wait3A_560] : memref<2x4096x2048xf32, #tpu.memory_space<hbm>> -> memref<1x128x2048xf32, #tpu.memory_space<hbm>>
    %dma_wait3A_562 = tpu.memref_squeeze %dma_wait3A_561 : memref<1x128x2048xf32, #tpu.memory_space<hbm>> -> memref<128x2048xf32, #tpu.memory_space<hbm>>
    %dma_wait3A_563 = arith.constant 0 : i32
    %dma_wait3A_564 = arith.constant 0 : i32
    %dma_wait3A_565 = tpu.memref_slice %arg3[%dma_wait3A_554, %dma_wait3A_563, %dma_wait3A_564] : memref<4x128x2048xf32, #tpu.memory_space<vmem_shared>> -> memref<1x128x2048xf32, #tpu.memory_space<vmem_shared>>
    %dma_wait3A_566 = tpu.memref_squeeze %dma_wait3A_565 : memref<1x128x2048xf32, #tpu.memory_space<vmem_shared>> -> memref<128x2048xf32, #tpu.memory_space<vmem_shared>>
    tpu.wait_dma2 semaphore(%dma_wait3A_559 : memref<!tpu.dma_semaphore, #tpu.memory_space<semaphore_mem>>) src(%dma_wait3A_566 : memref<128x2048xf32, #tpu.memory_space<vmem_shared>>) dst(%dma_wait3A_562 : memref<128x2048xf32, #tpu.memory_space<hbm>>)
    %dma_wait3A_567 = arith.constant 2 : i32
    %dma_wait3A_568 = arith.constant 1 : i32
    %dma_wait3A_569 = arith.constant 2 : i32
    %dma_wait3A_570 = arith.constant 1 : i32
    %dma_wait3A_571 = tpu.memref_slice %arg5[%dma_wait3A_569, %dma_wait3A_570] : memref<4x2x!tpu.dma_semaphore, #tpu.memory_space<semaphore_mem>> -> memref<1x1x!tpu.dma_semaphore, #tpu.memory_space<semaphore_mem>>
    %dma_wait3A_572 = tpu.memref_squeeze %dma_wait3A_571 : memref<1x1x!tpu.dma_semaphore, #tpu.memory_space<semaphore_mem>> -> memref<!tpu.dma_semaphore, #tpu.memory_space<semaphore_mem>>
    %dma_wait3A_573 = arith.constant 0 : i32
    %dma_wait3A_574 = tpu.memref_slice %arg2[%dma_wait3A_568, %add3A_540, %dma_wait3A_573] : memref<2x4096x2048xf32, #tpu.memory_space<hbm>> -> memref<1x128x2048xf32, #tpu.memory_space<hbm>>
    %dma_wait3A_575 = tpu.memref_squeeze %dma_wait3A_574 : memref<1x128x2048xf32, #tpu.memory_space<hbm>> -> memref<128x2048xf32, #tpu.memory_space<hbm>>
    %dma_wait3A_576 = arith.constant 0 : i32
    %dma_wait3A_577 = arith.constant 0 : i32
    %dma_wait3A_578 = tpu.memref_slice %arg3[%dma_wait3A_567, %dma_wait3A_576, %dma_wait3A_577] : memref<4x128x2048xf32, #tpu.memory_space<vmem_shared>> -> memref<1x128x2048xf32, #tpu.memory_space<vmem_shared>>
    %dma_wait3A_579 = tpu.memref_squeeze %dma_wait3A_578 : memref<1x128x2048xf32, #tpu.memory_space<vmem_shared>> -> memref<128x2048xf32, #tpu.memory_space<vmem_shared>>
    tpu.wait_dma2 semaphore(%dma_wait3A_572 : memref<!tpu.dma_semaphore, #tpu.memory_space<semaphore_mem>>) src(%dma_wait3A_579 : memref<128x2048xf32, #tpu.memory_space<vmem_shared>>) dst(%dma_wait3A_575 : memref<128x2048xf32, #tpu.memory_space<hbm>>)
    %add3A_580 = arith.constant 1280 : i32
    %add3A_581 = arith.addi %mul3A_0, %add3A_580 : i32
    %dma_start3A_582 = arith.constant 2 : i32
    %dma_start3A_583 = arith.constant 2 : i32
    %dma_start3A_584 = tpu.memref_slice %arg4[%dma_start3A_583] : memref<4x!tpu.dma_semaphore, #tpu.memory_space<semaphore_mem>> -> memref<1x!tpu.dma_semaphore, #tpu.memory_space<semaphore_mem>>
    %dma_start3A_585 = tpu.memref_squeeze %dma_start3A_584 : memref<1x!tpu.dma_semaphore, #tpu.memory_space<semaphore_mem>> -> memref<!tpu.dma_semaphore, #tpu.memory_space<semaphore_mem>>
    %dma_start3A_586 = arith.constant 0 : i32
    %dma_start3A_587 = arith.constant 0 : i32
    %dma_start3A_588 = tpu.memref_slice %arg3[%dma_start3A_582, %dma_start3A_586, %dma_start3A_587] : memref<4x128x2048xf32, #tpu.memory_space<vmem_shared>> -> memref<1x128x2048xf32, #tpu.memory_space<vmem_shared>>
    %dma_start3A_589 = tpu.memref_squeeze %dma_start3A_588 : memref<1x128x2048xf32, #tpu.memory_space<vmem_shared>> -> memref<128x2048xf32, #tpu.memory_space<vmem_shared>>
    %dma_start3A_590 = arith.constant 0 : i32
    %dma_start3A_591 = tpu.memref_slice %arg1[%add3A_581, %dma_start3A_590] : memref<4096x2048xf32, #tpu.memory_space<hbm>> -> memref<128x2048xf32, #tpu.memory_space<hbm>>
    tpu.enqueue_dma source(%dma_start3A_591 : memref<128x2048xf32, #tpu.memory_space<hbm>>) target(%dma_start3A_589 : memref<128x2048xf32, #tpu.memory_space<vmem_shared>>) target_semaphore(%dma_start3A_585 : memref<!tpu.dma_semaphore, #tpu.memory_space<semaphore_mem>>)
    %dma_wait3A_592 = arith.constant 3 : i32
    %dma_wait3A_593 = arith.constant 3 : i32
    %dma_wait3A_594 = tpu.memref_slice %arg4[%dma_wait3A_593] : memref<4x!tpu.dma_semaphore, #tpu.memory_space<semaphore_mem>> -> memref<1x!tpu.dma_semaphore, #tpu.memory_space<semaphore_mem>>
    %dma_wait3A_595 = tpu.memref_squeeze %dma_wait3A_594 : memref<1x!tpu.dma_semaphore, #tpu.memory_space<semaphore_mem>> -> memref<!tpu.dma_semaphore, #tpu.memory_space<semaphore_mem>>
    %dma_wait3A_596 = arith.constant 0 : i32
    %dma_wait3A_597 = arith.constant 0 : i32
    %dma_wait3A_598 = tpu.memref_slice %arg3[%dma_wait3A_592, %dma_wait3A_596, %dma_wait3A_597] : memref<4x128x2048xf32, #tpu.memory_space<vmem_shared>> -> memref<1x128x2048xf32, #tpu.memory_space<vmem_shared>>
    %dma_wait3A_599 = tpu.memref_squeeze %dma_wait3A_598 : memref<1x128x2048xf32, #tpu.memory_space<vmem_shared>> -> memref<128x2048xf32, #tpu.memory_space<vmem_shared>>
    %dma_wait3A_600 = arith.constant 0 : i32
    %dma_wait3A_601 = tpu.memref_slice %arg1[%add3A_347, %dma_wait3A_600] : memref<4096x2048xf32, #tpu.memory_space<hbm>> -> memref<128x2048xf32, #tpu.memory_space<hbm>>
    tpu.wait_dma2 semaphore(%dma_wait3A_595 : memref<!tpu.dma_semaphore, #tpu.memory_space<semaphore_mem>>) src(%dma_wait3A_601 : memref<128x2048xf32, #tpu.memory_space<hbm>>) dst(%dma_wait3A_599 : memref<128x2048xf32, #tpu.memory_space<vmem_shared>>)
    %add3A_602 = arith.constant 896 : i32
    %add3A_603 = arith.addi %mul3A_0, %add3A_602 : i32
    %dma_start3A_604 = arith.constant 3 : i32
    %dma_start3A_605 = arith.constant 0 : i32
    %dma_start3A_606 = arith.constant 3 : i32
    %dma_start3A_607 = arith.constant 0 : i32
    %dma_start3A_608 = tpu.memref_slice %arg5[%dma_start3A_606, %dma_start3A_607] : memref<4x2x!tpu.dma_semaphore, #tpu.memory_space<semaphore_mem>> -> memref<1x1x!tpu.dma_semaphore, #tpu.memory_space<semaphore_mem>>
    %dma_start3A_609 = tpu.memref_squeeze %dma_start3A_608 : memref<1x1x!tpu.dma_semaphore, #tpu.memory_space<semaphore_mem>> -> memref<!tpu.dma_semaphore, #tpu.memory_space<semaphore_mem>>
    %dma_start3A_610 = arith.constant 0 : i32
    %dma_start3A_611 = tpu.memref_slice %arg2[%dma_start3A_605, %add3A_603, %dma_start3A_610] : memref<2x4096x2048xf32, #tpu.memory_space<hbm>> -> memref<1x128x2048xf32, #tpu.memory_space<hbm>>
    %dma_start3A_612 = tpu.memref_squeeze %dma_start3A_611 : memref<1x128x2048xf32, #tpu.memory_space<hbm>> -> memref<128x2048xf32, #tpu.memory_space<hbm>>
    %dma_start3A_613 = arith.constant 0 : i32
    %dma_start3A_614 = arith.constant 0 : i32
    %dma_start3A_615 = tpu.memref_slice %arg3[%dma_start3A_604, %dma_start3A_613, %dma_start3A_614] : memref<4x128x2048xf32, #tpu.memory_space<vmem_shared>> -> memref<1x128x2048xf32, #tpu.memory_space<vmem_shared>>
    %dma_start3A_616 = tpu.memref_squeeze %dma_start3A_615 : memref<1x128x2048xf32, #tpu.memory_space<vmem_shared>> -> memref<128x2048xf32, #tpu.memory_space<vmem_shared>>
    tpu.enqueue_dma source(%dma_start3A_616 : memref<128x2048xf32, #tpu.memory_space<vmem_shared>>) target(%dma_start3A_612 : memref<128x2048xf32, #tpu.memory_space<hbm>>) target_semaphore(%dma_start3A_609 : memref<!tpu.dma_semaphore, #tpu.memory_space<semaphore_mem>>)
    %add3A_617 = arith.constant 896 : i32
    %add3A_618 = arith.addi %mul3A_0, %add3A_617 : i32
    %dma_start3A_619 = arith.constant 3 : i32
    %dma_start3A_620 = arith.constant 1 : i32
    %dma_start3A_621 = arith.constant 3 : i32
    %dma_start3A_622 = arith.constant 1 : i32
    %dma_start3A_623 = tpu.memref_slice %arg5[%dma_start3A_621, %dma_start3A_622] : memref<4x2x!tpu.dma_semaphore, #tpu.memory_space<semaphore_mem>> -> memref<1x1x!tpu.dma_semaphore, #tpu.memory_space<semaphore_mem>>
    %dma_start3A_624 = tpu.memref_squeeze %dma_start3A_623 : memref<1x1x!tpu.dma_semaphore, #tpu.memory_space<semaphore_mem>> -> memref<!tpu.dma_semaphore, #tpu.memory_space<semaphore_mem>>
    %dma_start3A_625 = arith.constant 0 : i32
    %dma_start3A_626 = tpu.memref_slice %arg2[%dma_start3A_620, %add3A_618, %dma_start3A_625] : memref<2x4096x2048xf32, #tpu.memory_space<hbm>> -> memref<1x128x2048xf32, #tpu.memory_space<hbm>>
    %dma_start3A_627 = tpu.memref_squeeze %dma_start3A_626 : memref<1x128x2048xf32, #tpu.memory_space<hbm>> -> memref<128x2048xf32, #tpu.memory_space<hbm>>
    %dma_start3A_628 = arith.constant 0 : i32
    %dma_start3A_629 = arith.constant 0 : i32
    %dma_start3A_630 = tpu.memref_slice %arg3[%dma_start3A_619, %dma_start3A_628, %dma_start3A_629] : memref<4x128x2048xf32, #tpu.memory_space<vmem_shared>> -> memref<1x128x2048xf32, #tpu.memory_space<vmem_shared>>
    %dma_start3A_631 = tpu.memref_squeeze %dma_start3A_630 : memref<1x128x2048xf32, #tpu.memory_space<vmem_shared>> -> memref<128x2048xf32, #tpu.memory_space<vmem_shared>>
    tpu.enqueue_dma source(%dma_start3A_631 : memref<128x2048xf32, #tpu.memory_space<vmem_shared>>) target(%dma_start3A_627 : memref<128x2048xf32, #tpu.memory_space<hbm>>) target_semaphore(%dma_start3A_624 : memref<!tpu.dma_semaphore, #tpu.memory_space<semaphore_mem>>)
    %dma_wait3A_632 = arith.constant 3 : i32
    %dma_wait3A_633 = arith.constant 0 : i32
    %dma_wait3A_634 = arith.constant 3 : i32
    %dma_wait3A_635 = arith.constant 0 : i32
    %dma_wait3A_636 = tpu.memref_slice %arg5[%dma_wait3A_634, %dma_wait3A_635] : memref<4x2x!tpu.dma_semaphore, #tpu.memory_space<semaphore_mem>> -> memref<1x1x!tpu.dma_semaphore, #tpu.memory_space<semaphore_mem>>
    %dma_wait3A_637 = tpu.memref_squeeze %dma_wait3A_636 : memref<1x1x!tpu.dma_semaphore, #tpu.memory_space<semaphore_mem>> -> memref<!tpu.dma_semaphore, #tpu.memory_space<semaphore_mem>>
    %dma_wait3A_638 = arith.constant 0 : i32
    %dma_wait3A_639 = tpu.memref_slice %arg2[%dma_wait3A_633, %add3A_603, %dma_wait3A_638] : memref<2x4096x2048xf32, #tpu.memory_space<hbm>> -> memref<1x128x2048xf32, #tpu.memory_space<hbm>>
    %dma_wait3A_640 = tpu.memref_squeeze %dma_wait3A_639 : memref<1x128x2048xf32, #tpu.memory_space<hbm>> -> memref<128x2048xf32, #tpu.memory_space<hbm>>
    %dma_wait3A_641 = arith.constant 0 : i32
    %dma_wait3A_642 = arith.constant 0 : i32
    %dma_wait3A_643 = tpu.memref_slice %arg3[%dma_wait3A_632, %dma_wait3A_641, %dma_wait3A_642] : memref<4x128x2048xf32, #tpu.memory_space<vmem_shared>> -> memref<1x128x2048xf32, #tpu.memory_space<vmem_shared>>
    %dma_wait3A_644 = tpu.memref_squeeze %dma_wait3A_643 : memref<1x128x2048xf32, #tpu.memory_space<vmem_shared>> -> memref<128x2048xf32, #tpu.memory_space<vmem_shared>>
    tpu.wait_dma2 semaphore(%dma_wait3A_637 : memref<!tpu.dma_semaphore, #tpu.memory_space<semaphore_mem>>) src(%dma_wait3A_644 : memref<128x2048xf32, #tpu.memory_space<vmem_shared>>) dst(%dma_wait3A_640 : memref<128x2048xf32, #tpu.memory_space<hbm>>)
    %dma_wait3A_645 = arith.constant 3 : i32
    %dma_wait3A_646 = arith.constant 1 : i32
    %dma_wait3A_647 = arith.constant 3 : i32
    %dma_wait3A_648 = arith.constant 1 : i32
    %dma_wait3A_649 = tpu.memref_slice %arg5[%dma_wait3A_647, %dma_wait3A_648] : memref<4x2x!tpu.dma_semaphore, #tpu.memory_space<semaphore_mem>> -> memref<1x1x!tpu.dma_semaphore, #tpu.memory_space<semaphore_mem>>
    %dma_wait3A_650 = tpu.memref_squeeze %dma_wait3A_649 : memref<1x1x!tpu.dma_semaphore, #tpu.memory_space<semaphore_mem>> -> memref<!tpu.dma_semaphore, #tpu.memory_space<semaphore_mem>>
    %dma_wait3A_651 = arith.constant 0 : i32
    %dma_wait3A_652 = tpu.memref_slice %arg2[%dma_wait3A_646, %add3A_618, %dma_wait3A_651] : memref<2x4096x2048xf32, #tpu.memory_space<hbm>> -> memref<1x128x2048xf32, #tpu.memory_space<hbm>>
    %dma_wait3A_653 = tpu.memref_squeeze %dma_wait3A_652 : memref<1x128x2048xf32, #tpu.memory_space<hbm>> -> memref<128x2048xf32, #tpu.memory_space<hbm>>
    %dma_wait3A_654 = arith.constant 0 : i32
    %dma_wait3A_655 = arith.constant 0 : i32
    %dma_wait3A_656 = tpu.memref_slice %arg3[%dma_wait3A_645, %dma_wait3A_654, %dma_wait3A_655] : memref<4x128x2048xf32, #tpu.memory_space<vmem_shared>> -> memref<1x128x2048xf32, #tpu.memory_space<vmem_shared>>
    %dma_wait3A_657 = tpu.memref_squeeze %dma_wait3A_656 : memref<1x128x2048xf32, #tpu.memory_space<vmem_shared>> -> memref<128x2048xf32, #tpu.memory_space<vmem_shared>>
    tpu.wait_dma2 semaphore(%dma_wait3A_650 : memref<!tpu.dma_semaphore, #tpu.memory_space<semaphore_mem>>) src(%dma_wait3A_657 : memref<128x2048xf32, #tpu.memory_space<vmem_shared>>) dst(%dma_wait3A_653 : memref<128x2048xf32, #tpu.memory_space<hbm>>)
    %add3A_658 = arith.constant 1408 : i32
    %add3A_659 = arith.addi %mul3A_0, %add3A_658 : i32
    %dma_start3A_660 = arith.constant 3 : i32
    %dma_start3A_661 = arith.constant 3 : i32
    %dma_start3A_662 = tpu.memref_slice %arg4[%dma_start3A_661] : memref<4x!tpu.dma_semaphore, #tpu.memory_space<semaphore_mem>> -> memref<1x!tpu.dma_semaphore, #tpu.memory_space<semaphore_mem>>
    %dma_start3A_663 = tpu.memref_squeeze %dma_start3A_662 : memref<1x!tpu.dma_semaphore, #tpu.memory_space<semaphore_mem>> -> memref<!tpu.dma_semaphore, #tpu.memory_space<semaphore_mem>>
    %dma_start3A_664 = arith.constant 0 : i32
    %dma_start3A_665 = arith.constant 0 : i32
    %dma_start3A_666 = tpu.memref_slice %arg3[%dma_start3A_660, %dma_start3A_664, %dma_start3A_665] : memref<4x128x2048xf32, #tpu.memory_space<vmem_shared>> -> memref<1x128x2048xf32, #tpu.memory_space<vmem_shared>>
    %dma_start3A_667 = tpu.memref_squeeze %dma_start3A_666 : memref<1x128x2048xf32, #tpu.memory_space<vmem_shared>> -> memref<128x2048xf32, #tpu.memory_space<vmem_shared>>
    %dma_start3A_668 = arith.constant 0 : i32
    %dma_start3A_669 = tpu.memref_slice %arg1[%add3A_659, %dma_start3A_668] : memref<4096x2048xf32, #tpu.memory_space<hbm>> -> memref<128x2048xf32, #tpu.memory_space<hbm>>
    tpu.enqueue_dma source(%dma_start3A_669 : memref<128x2048xf32, #tpu.memory_space<hbm>>) target(%dma_start3A_667 : memref<128x2048xf32, #tpu.memory_space<vmem_shared>>) target_semaphore(%dma_start3A_663 : memref<!tpu.dma_semaphore, #tpu.memory_space<semaphore_mem>>)
    %dma_wait3A_670 = arith.constant 0 : i32
    %dma_wait3A_671 = arith.constant 0 : i32
    %dma_wait3A_672 = tpu.memref_slice %arg4[%dma_wait3A_671] : memref<4x!tpu.dma_semaphore, #tpu.memory_space<semaphore_mem>> -> memref<1x!tpu.dma_semaphore, #tpu.memory_space<semaphore_mem>>
    %dma_wait3A_673 = tpu.memref_squeeze %dma_wait3A_672 : memref<1x!tpu.dma_semaphore, #tpu.memory_space<semaphore_mem>> -> memref<!tpu.dma_semaphore, #tpu.memory_space<semaphore_mem>>
    %dma_wait3A_674 = arith.constant 0 : i32
    %dma_wait3A_675 = arith.constant 0 : i32
    %dma_wait3A_676 = tpu.memref_slice %arg3[%dma_wait3A_670, %dma_wait3A_674, %dma_wait3A_675] : memref<4x128x2048xf32, #tpu.memory_space<vmem_shared>> -> memref<1x128x2048xf32, #tpu.memory_space<vmem_shared>>
    %dma_wait3A_677 = tpu.memref_squeeze %dma_wait3A_676 : memref<1x128x2048xf32, #tpu.memory_space<vmem_shared>> -> memref<128x2048xf32, #tpu.memory_space<vmem_shared>>
    %dma_wait3A_678 = arith.constant 0 : i32
    %dma_wait3A_679 = tpu.memref_slice %arg1[%add3A_425, %dma_wait3A_678] : memref<4096x2048xf32, #tpu.memory_space<hbm>> -> memref<128x2048xf32, #tpu.memory_space<hbm>>
    tpu.wait_dma2 semaphore(%dma_wait3A_673 : memref<!tpu.dma_semaphore, #tpu.memory_space<semaphore_mem>>) src(%dma_wait3A_679 : memref<128x2048xf32, #tpu.memory_space<hbm>>) dst(%dma_wait3A_677 : memref<128x2048xf32, #tpu.memory_space<vmem_shared>>)
    %add3A_680 = arith.constant 1024 : i32
    %add3A_681 = arith.addi %mul3A_0, %add3A_680 : i32
    %dma_start3A_682 = arith.constant 0 : i32
    %dma_start3A_683 = arith.constant 0 : i32
    %dma_start3A_684 = arith.constant 0 : i32
    %dma_start3A_685 = arith.constant 0 : i32
    %dma_start3A_686 = tpu.memref_slice %arg5[%dma_start3A_684, %dma_start3A_685] : memref<4x2x!tpu.dma_semaphore, #tpu.memory_space<semaphore_mem>> -> memref<1x1x!tpu.dma_semaphore, #tpu.memory_space<semaphore_mem>>
    %dma_start3A_687 = tpu.memref_squeeze %dma_start3A_686 : memref<1x1x!tpu.dma_semaphore, #tpu.memory_space<semaphore_mem>> -> memref<!tpu.dma_semaphore, #tpu.memory_space<semaphore_mem>>
    %dma_start3A_688 = arith.constant 0 : i32
    %dma_start3A_689 = tpu.memref_slice %arg2[%dma_start3A_683, %add3A_681, %dma_start3A_688] : memref<2x4096x2048xf32, #tpu.memory_space<hbm>> -> memref<1x128x2048xf32, #tpu.memory_space<hbm>>
    %dma_start3A_690 = tpu.memref_squeeze %dma_start3A_689 : memref<1x128x2048xf32, #tpu.memory_space<hbm>> -> memref<128x2048xf32, #tpu.memory_space<hbm>>
    %dma_start3A_691 = arith.constant 0 : i32
    %dma_start3A_692 = arith.constant 0 : i32
    %dma_start3A_693 = tpu.memref_slice %arg3[%dma_start3A_682, %dma_start3A_691, %dma_start3A_692] : memref<4x128x2048xf32, #tpu.memory_space<vmem_shared>> -> memref<1x128x2048xf32, #tpu.memory_space<vmem_shared>>
    %dma_start3A_694 = tpu.memref_squeeze %dma_start3A_693 : memref<1x128x2048xf32, #tpu.memory_space<vmem_shared>> -> memref<128x2048xf32, #tpu.memory_space<vmem_shared>>
    tpu.enqueue_dma source(%dma_start3A_694 : memref<128x2048xf32, #tpu.memory_space<vmem_shared>>) target(%dma_start3A_690 : memref<128x2048xf32, #tpu.memory_space<hbm>>) target_semaphore(%dma_start3A_687 : memref<!tpu.dma_semaphore, #tpu.memory_space<semaphore_mem>>)
    %add3A_695 = arith.constant 1024 : i32
    %add3A_696 = arith.addi %mul3A_0, %add3A_695 : i32
    %dma_start3A_697 = arith.constant 0 : i32
    %dma_start3A_698 = arith.constant 1 : i32
    %dma_start3A_699 = arith.constant 0 : i32
    %dma_start3A_700 = arith.constant 1 : i32
    %dma_start3A_701 = tpu.memref_slice %arg5[%dma_start3A_699, %dma_start3A_700] : memref<4x2x!tpu.dma_semaphore, #tpu.memory_space<semaphore_mem>> -> memref<1x1x!tpu.dma_semaphore, #tpu.memory_space<semaphore_mem>>
    %dma_start3A_702 = tpu.memref_squeeze %dma_start3A_701 : memref<1x1x!tpu.dma_semaphore, #tpu.memory_space<semaphore_mem>> -> memref<!tpu.dma_semaphore, #tpu.memory_space<semaphore_mem>>
    %dma_start3A_703 = arith.constant 0 : i32
    %dma_start3A_704 = tpu.memref_slice %arg2[%dma_start3A_698, %add3A_696, %dma_start3A_703] : memref<2x4096x2048xf32, #tpu.memory_space<hbm>> -> memref<1x128x2048xf32, #tpu.memory_space<hbm>>
    %dma_start3A_705 = tpu.memref_squeeze %dma_start3A_704 : memref<1x128x2048xf32, #tpu.memory_space<hbm>> -> memref<128x2048xf32, #tpu.memory_space<hbm>>
    %dma_start3A_706 = arith.constant 0 : i32
    %dma_start3A_707 = arith.constant 0 : i32
    %dma_start3A_708 = tpu.memref_slice %arg3[%dma_start3A_697, %dma_start3A_706, %dma_start3A_707] : memref<4x128x2048xf32, #tpu.memory_space<vmem_shared>> -> memref<1x128x2048xf32, #tpu.memory_space<vmem_shared>>
    %dma_start3A_709 = tpu.memref_squeeze %dma_start3A_708 : memref<1x128x2048xf32, #tpu.memory_space<vmem_shared>> -> memref<128x2048xf32, #tpu.memory_space<vmem_shared>>
    tpu.enqueue_dma source(%dma_start3A_709 : memref<128x2048xf32, #tpu.memory_space<vmem_shared>>) target(%dma_start3A_705 : memref<128x2048xf32, #tpu.memory_space<hbm>>) target_semaphore(%dma_start3A_702 : memref<!tpu.dma_semaphore, #tpu.memory_space<semaphore_mem>>)
    %dma_wait3A_710 = arith.constant 0 : i32
    %dma_wait3A_711 = arith.constant 0 : i32
    %dma_wait3A_712 = arith.constant 0 : i32
    %dma_wait3A_713 = arith.constant 0 : i32
    %dma_wait3A_714 = tpu.memref_slice %arg5[%dma_wait3A_712, %dma_wait3A_713] : memref<4x2x!tpu.dma_semaphore, #tpu.memory_space<semaphore_mem>> -> memref<1x1x!tpu.dma_semaphore, #tpu.memory_space<semaphore_mem>>
    %dma_wait3A_715 = tpu.memref_squeeze %dma_wait3A_714 : memref<1x1x!tpu.dma_semaphore, #tpu.memory_space<semaphore_mem>> -> memref<!tpu.dma_semaphore, #tpu.memory_space<semaphore_mem>>
    %dma_wait3A_716 = arith.constant 0 : i32
    %dma_wait3A_717 = tpu.memref_slice %arg2[%dma_wait3A_711, %add3A_681, %dma_wait3A_716] : memref<2x4096x2048xf32, #tpu.memory_space<hbm>> -> memref<1x128x2048xf32, #tpu.memory_space<hbm>>
    %dma_wait3A_718 = tpu.memref_squeeze %dma_wait3A_717 : memref<1x128x2048xf32, #tpu.memory_space<hbm>> -> memref<128x2048xf32, #tpu.memory_space<hbm>>
    %dma_wait3A_719 = arith.constant 0 : i32
    %dma_wait3A_720 = arith.constant 0 : i32
    %dma_wait3A_721 = tpu.memref_slice %arg3[%dma_wait3A_710, %dma_wait3A_719, %dma_wait3A_720] : memref<4x128x2048xf32, #tpu.memory_space<vmem_shared>> -> memref<1x128x2048xf32, #tpu.memory_space<vmem_shared>>
    %dma_wait3A_722 = tpu.memref_squeeze %dma_wait3A_721 : memref<1x128x2048xf32, #tpu.memory_space<vmem_shared>> -> memref<128x2048xf32, #tpu.memory_space<vmem_shared>>
    tpu.wait_dma2 semaphore(%dma_wait3A_715 : memref<!tpu.dma_semaphore, #tpu.memory_space<semaphore_mem>>) src(%dma_wait3A_722 : memref<128x2048xf32, #tpu.memory_space<vmem_shared>>) dst(%dma_wait3A_718 : memref<128x2048xf32, #tpu.memory_space<hbm>>)
    %dma_wait3A_723 = arith.constant 0 : i32
    %dma_wait3A_724 = arith.constant 1 : i32
    %dma_wait3A_725 = arith.constant 0 : i32
    %dma_wait3A_726 = arith.constant 1 : i32
    %dma_wait3A_727 = tpu.memref_slice %arg5[%dma_wait3A_725, %dma_wait3A_726] : memref<4x2x!tpu.dma_semaphore, #tpu.memory_space<semaphore_mem>> -> memref<1x1x!tpu.dma_semaphore, #tpu.memory_space<semaphore_mem>>
    %dma_wait3A_728 = tpu.memref_squeeze %dma_wait3A_727 : memref<1x1x!tpu.dma_semaphore, #tpu.memory_space<semaphore_mem>> -> memref<!tpu.dma_semaphore, #tpu.memory_space<semaphore_mem>>
    %dma_wait3A_729 = arith.constant 0 : i32
    %dma_wait3A_730 = tpu.memref_slice %arg2[%dma_wait3A_724, %add3A_696, %dma_wait3A_729] : memref<2x4096x2048xf32, #tpu.memory_space<hbm>> -> memref<1x128x2048xf32, #tpu.memory_space<hbm>>
    %dma_wait3A_731 = tpu.memref_squeeze %dma_wait3A_730 : memref<1x128x2048xf32, #tpu.memory_space<hbm>> -> memref<128x2048xf32, #tpu.memory_space<hbm>>
    %dma_wait3A_732 = arith.constant 0 : i32
    %dma_wait3A_733 = arith.constant 0 : i32
    %dma_wait3A_734 = tpu.memref_slice %arg3[%dma_wait3A_723, %dma_wait3A_732, %dma_wait3A_733] : memref<4x128x2048xf32, #tpu.memory_space<vmem_shared>> -> memref<1x128x2048xf32, #tpu.memory_space<vmem_shared>>
    %dma_wait3A_735 = tpu.memref_squeeze %dma_wait3A_734 : memref<1x128x2048xf32, #tpu.memory_space<vmem_shared>> -> memref<128x2048xf32, #tpu.memory_space<vmem_shared>>
    tpu.wait_dma2 semaphore(%dma_wait3A_728 : memref<!tpu.dma_semaphore, #tpu.memory_space<semaphore_mem>>) src(%dma_wait3A_735 : memref<128x2048xf32, #tpu.memory_space<vmem_shared>>) dst(%dma_wait3A_731 : memref<128x2048xf32, #tpu.memory_space<hbm>>)
    %add3A_736 = arith.constant 1536 : i32
    %add3A_737 = arith.addi %mul3A_0, %add3A_736 : i32
    %dma_start3A_738 = arith.constant 0 : i32
    %dma_start3A_739 = arith.constant 0 : i32
    %dma_start3A_740 = tpu.memref_slice %arg4[%dma_start3A_739] : memref<4x!tpu.dma_semaphore, #tpu.memory_space<semaphore_mem>> -> memref<1x!tpu.dma_semaphore, #tpu.memory_space<semaphore_mem>>
    %dma_start3A_741 = tpu.memref_squeeze %dma_start3A_740 : memref<1x!tpu.dma_semaphore, #tpu.memory_space<semaphore_mem>> -> memref<!tpu.dma_semaphore, #tpu.memory_space<semaphore_mem>>
    %dma_start3A_742 = arith.constant 0 : i32
    %dma_start3A_743 = arith.constant 0 : i32
    %dma_start3A_744 = tpu.memref_slice %arg3[%dma_start3A_738, %dma_start3A_742, %dma_start3A_743] : memref<4x128x2048xf32, #tpu.memory_space<vmem_shared>> -> memref<1x128x2048xf32, #tpu.memory_space<vmem_shared>>
    %dma_start3A_745 = tpu.memref_squeeze %dma_start3A_744 : memref<1x128x2048xf32, #tpu.memory_space<vmem_shared>> -> memref<128x2048xf32, #tpu.memory_space<vmem_shared>>
    %dma_start3A_746 = arith.constant 0 : i32
    %dma_start3A_747 = tpu.memref_slice %arg1[%add3A_737, %dma_start3A_746] : memref<4096x2048xf32, #tpu.memory_space<hbm>> -> memref<128x2048xf32, #tpu.memory_space<hbm>>
    tpu.enqueue_dma source(%dma_start3A_747 : memref<128x2048xf32, #tpu.memory_space<hbm>>) target(%dma_start3A_745 : memref<128x2048xf32, #tpu.memory_space<vmem_shared>>) target_semaphore(%dma_start3A_741 : memref<!tpu.dma_semaphore, #tpu.memory_space<semaphore_mem>>)
    %dma_wait3A_748 = arith.constant 1 : i32
    %dma_wait3A_749 = arith.constant 1 : i32
    %dma_wait3A_750 = tpu.memref_slice %arg4[%dma_wait3A_749] : memref<4x!tpu.dma_semaphore, #tpu.memory_space<semaphore_mem>> -> memref<1x!tpu.dma_semaphore, #tpu.memory_space<semaphore_mem>>
    %dma_wait3A_751 = tpu.memref_squeeze %dma_wait3A_750 : memref<1x!tpu.dma_semaphore, #tpu.memory_space<semaphore_mem>> -> memref<!tpu.dma_semaphore, #tpu.memory_space<semaphore_mem>>
    %dma_wait3A_752 = arith.constant 0 : i32
    %dma_wait3A_753 = arith.constant 0 : i32
    %dma_wait3A_754 = tpu.memref_slice %arg3[%dma_wait3A_748, %dma_wait3A_752, %dma_wait3A_753] : memref<4x128x2048xf32, #tpu.memory_space<vmem_shared>> -> memref<1x128x2048xf32, #tpu.memory_space<vmem_shared>>
    %dma_wait3A_755 = tpu.memref_squeeze %dma_wait3A_754 : memref<1x128x2048xf32, #tpu.memory_space<vmem_shared>> -> memref<128x2048xf32, #tpu.memory_space<vmem_shared>>
    %dma_wait3A_756 = arith.constant 0 : i32
    %dma_wait3A_757 = tpu.memref_slice %arg1[%add3A_503, %dma_wait3A_756] : memref<4096x2048xf32, #tpu.memory_space<hbm>> -> memref<128x2048xf32, #tpu.memory_space<hbm>>
    tpu.wait_dma2 semaphore(%dma_wait3A_751 : memref<!tpu.dma_semaphore, #tpu.memory_space<semaphore_mem>>) src(%dma_wait3A_757 : memref<128x2048xf32, #tpu.memory_space<hbm>>) dst(%dma_wait3A_755 : memref<128x2048xf32, #tpu.memory_space<vmem_shared>>)
    %add3A_758 = arith.constant 1152 : i32
    %add3A_759 = arith.addi %mul3A_0, %add3A_758 : i32
    %dma_start3A_760 = arith.constant 1 : i32
    %dma_start3A_761 = arith.constant 0 : i32
    %dma_start3A_762 = arith.constant 1 : i32
    %dma_start3A_763 = arith.constant 0 : i32
    %dma_start3A_764 = tpu.memref_slice %arg5[%dma_start3A_762, %dma_start3A_763] : memref<4x2x!tpu.dma_semaphore, #tpu.memory_space<semaphore_mem>> -> memref<1x1x!tpu.dma_semaphore, #tpu.memory_space<semaphore_mem>>
    %dma_start3A_765 = tpu.memref_squeeze %dma_start3A_764 : memref<1x1x!tpu.dma_semaphore, #tpu.memory_space<semaphore_mem>> -> memref<!tpu.dma_semaphore, #tpu.memory_space<semaphore_mem>>
    %dma_start3A_766 = arith.constant 0 : i32
    %dma_start3A_767 = tpu.memref_slice %arg2[%dma_start3A_761, %add3A_759, %dma_start3A_766] : memref<2x4096x2048xf32, #tpu.memory_space<hbm>> -> memref<1x128x2048xf32, #tpu.memory_space<hbm>>
    %dma_start3A_768 = tpu.memref_squeeze %dma_start3A_767 : memref<1x128x2048xf32, #tpu.memory_space<hbm>> -> memref<128x2048xf32, #tpu.memory_space<hbm>>
    %dma_start3A_769 = arith.constant 0 : i32
    %dma_start3A_770 = arith.constant 0 : i32
    %dma_start3A_771 = tpu.memref_slice %arg3[%dma_start3A_760, %dma_start3A_769, %dma_start3A_770] : memref<4x128x2048xf32, #tpu.memory_space<vmem_shared>> -> memref<1x128x2048xf32, #tpu.memory_space<vmem_shared>>
    %dma_start3A_772 = tpu.memref_squeeze %dma_start3A_771 : memref<1x128x2048xf32, #tpu.memory_space<vmem_shared>> -> memref<128x2048xf32, #tpu.memory_space<vmem_shared>>
    tpu.enqueue_dma source(%dma_start3A_772 : memref<128x2048xf32, #tpu.memory_space<vmem_shared>>) target(%dma_start3A_768 : memref<128x2048xf32, #tpu.memory_space<hbm>>) target_semaphore(%dma_start3A_765 : memref<!tpu.dma_semaphore, #tpu.memory_space<semaphore_mem>>)
    %add3A_773 = arith.constant 1152 : i32
    %add3A_774 = arith.addi %mul3A_0, %add3A_773 : i32
    %dma_start3A_775 = arith.constant 1 : i32
    %dma_start3A_776 = arith.constant 1 : i32
    %dma_start3A_777 = arith.constant 1 : i32
    %dma_start3A_778 = arith.constant 1 : i32
    %dma_start3A_779 = tpu.memref_slice %arg5[%dma_start3A_777, %dma_start3A_778] : memref<4x2x!tpu.dma_semaphore, #tpu.memory_space<semaphore_mem>> -> memref<1x1x!tpu.dma_semaphore, #tpu.memory_space<semaphore_mem>>
    %dma_start3A_780 = tpu.memref_squeeze %dma_start3A_779 : memref<1x1x!tpu.dma_semaphore, #tpu.memory_space<semaphore_mem>> -> memref<!tpu.dma_semaphore, #tpu.memory_space<semaphore_mem>>
    %dma_start3A_781 = arith.constant 0 : i32
    %dma_start3A_782 = tpu.memref_slice %arg2[%dma_start3A_776, %add3A_774, %dma_start3A_781] : memref<2x4096x2048xf32, #tpu.memory_space<hbm>> -> memref<1x128x2048xf32, #tpu.memory_space<hbm>>
    %dma_start3A_783 = tpu.memref_squeeze %dma_start3A_782 : memref<1x128x2048xf32, #tpu.memory_space<hbm>> -> memref<128x2048xf32, #tpu.memory_space<hbm>>
    %dma_start3A_784 = arith.constant 0 : i32
    %dma_start3A_785 = arith.constant 0 : i32
    %dma_start3A_786 = tpu.memref_slice %arg3[%dma_start3A_775, %dma_start3A_784, %dma_start3A_785] : memref<4x128x2048xf32, #tpu.memory_space<vmem_shared>> -> memref<1x128x2048xf32, #tpu.memory_space<vmem_shared>>
    %dma_start3A_787 = tpu.memref_squeeze %dma_start3A_786 : memref<1x128x2048xf32, #tpu.memory_space<vmem_shared>> -> memref<128x2048xf32, #tpu.memory_space<vmem_shared>>
    tpu.enqueue_dma source(%dma_start3A_787 : memref<128x2048xf32, #tpu.memory_space<vmem_shared>>) target(%dma_start3A_783 : memref<128x2048xf32, #tpu.memory_space<hbm>>) target_semaphore(%dma_start3A_780 : memref<!tpu.dma_semaphore, #tpu.memory_space<semaphore_mem>>)
    %dma_wait3A_788 = arith.constant 1 : i32
    %dma_wait3A_789 = arith.constant 0 : i32
    %dma_wait3A_790 = arith.constant 1 : i32
    %dma_wait3A_791 = arith.constant 0 : i32
    %dma_wait3A_792 = tpu.memref_slice %arg5[%dma_wait3A_790, %dma_wait3A_791] : memref<4x2x!tpu.dma_semaphore, #tpu.memory_space<semaphore_mem>> -> memref<1x1x!tpu.dma_semaphore, #tpu.memory_space<semaphore_mem>>
    %dma_wait3A_793 = tpu.memref_squeeze %dma_wait3A_792 : memref<1x1x!tpu.dma_semaphore, #tpu.memory_space<semaphore_mem>> -> memref<!tpu.dma_semaphore, #tpu.memory_space<semaphore_mem>>
    %dma_wait3A_794 = arith.constant 0 : i32
    %dma_wait3A_795 = tpu.memref_slice %arg2[%dma_wait3A_789, %add3A_759, %dma_wait3A_794] : memref<2x4096x2048xf32, #tpu.memory_space<hbm>> -> memref<1x128x2048xf32, #tpu.memory_space<hbm>>
    %dma_wait3A_796 = tpu.memref_squeeze %dma_wait3A_795 : memref<1x128x2048xf32, #tpu.memory_space<hbm>> -> memref<128x2048xf32, #tpu.memory_space<hbm>>
    %dma_wait3A_797 = arith.constant 0 : i32
    %dma_wait3A_798 = arith.constant 0 : i32
    %dma_wait3A_799 = tpu.memref_slice %arg3[%dma_wait3A_788, %dma_wait3A_797, %dma_wait3A_798] : memref<4x128x2048xf32, #tpu.memory_space<vmem_shared>> -> memref<1x128x2048xf32, #tpu.memory_space<vmem_shared>>
    %dma_wait3A_800 = tpu.memref_squeeze %dma_wait3A_799 : memref<1x128x2048xf32, #tpu.memory_space<vmem_shared>> -> memref<128x2048xf32, #tpu.memory_space<vmem_shared>>
    tpu.wait_dma2 semaphore(%dma_wait3A_793 : memref<!tpu.dma_semaphore, #tpu.memory_space<semaphore_mem>>) src(%dma_wait3A_800 : memref<128x2048xf32, #tpu.memory_space<vmem_shared>>) dst(%dma_wait3A_796 : memref<128x2048xf32, #tpu.memory_space<hbm>>)
    %dma_wait3A_801 = arith.constant 1 : i32
    %dma_wait3A_802 = arith.constant 1 : i32
    %dma_wait3A_803 = arith.constant 1 : i32
    %dma_wait3A_804 = arith.constant 1 : i32
    %dma_wait3A_805 = tpu.memref_slice %arg5[%dma_wait3A_803, %dma_wait3A_804] : memref<4x2x!tpu.dma_semaphore, #tpu.memory_space<semaphore_mem>> -> memref<1x1x!tpu.dma_semaphore, #tpu.memory_space<semaphore_mem>>
    %dma_wait3A_806 = tpu.memref_squeeze %dma_wait3A_805 : memref<1x1x!tpu.dma_semaphore, #tpu.memory_space<semaphore_mem>> -> memref<!tpu.dma_semaphore, #tpu.memory_space<semaphore_mem>>
    %dma_wait3A_807 = arith.constant 0 : i32
    %dma_wait3A_808 = tpu.memref_slice %arg2[%dma_wait3A_802, %add3A_774, %dma_wait3A_807] : memref<2x4096x2048xf32, #tpu.memory_space<hbm>> -> memref<1x128x2048xf32, #tpu.memory_space<hbm>>
    %dma_wait3A_809 = tpu.memref_squeeze %dma_wait3A_808 : memref<1x128x2048xf32, #tpu.memory_space<hbm>> -> memref<128x2048xf32, #tpu.memory_space<hbm>>
    %dma_wait3A_810 = arith.constant 0 : i32
    %dma_wait3A_811 = arith.constant 0 : i32
    %dma_wait3A_812 = tpu.memref_slice %arg3[%dma_wait3A_801, %dma_wait3A_810, %dma_wait3A_811] : memref<4x128x2048xf32, #tpu.memory_space<vmem_shared>> -> memref<1x128x2048xf32, #tpu.memory_space<vmem_shared>>
    %dma_wait3A_813 = tpu.memref_squeeze %dma_wait3A_812 : memref<1x128x2048xf32, #tpu.memory_space<vmem_shared>> -> memref<128x2048xf32, #tpu.memory_space<vmem_shared>>
    tpu.wait_dma2 semaphore(%dma_wait3A_806 : memref<!tpu.dma_semaphore, #tpu.memory_space<semaphore_mem>>) src(%dma_wait3A_813 : memref<128x2048xf32, #tpu.memory_space<vmem_shared>>) dst(%dma_wait3A_809 : memref<128x2048xf32, #tpu.memory_space<hbm>>)
    %add3A_814 = arith.constant 1664 : i32
    %add3A_815 = arith.addi %mul3A_0, %add3A_814 : i32
    %dma_start3A_816 = arith.constant 1 : i32
    %dma_start3A_817 = arith.constant 1 : i32
    %dma_start3A_818 = tpu.memref_slice %arg4[%dma_start3A_817] : memref<4x!tpu.dma_semaphore, #tpu.memory_space<semaphore_mem>> -> memref<1x!tpu.dma_semaphore, #tpu.memory_space<semaphore_mem>>
    %dma_start3A_819 = tpu.memref_squeeze %dma_start3A_818 : memref<1x!tpu.dma_semaphore, #tpu.memory_space<semaphore_mem>> -> memref<!tpu.dma_semaphore, #tpu.memory_space<semaphore_mem>>
    %dma_start3A_820 = arith.constant 0 : i32
    %dma_start3A_821 = arith.constant 0 : i32
    %dma_start3A_822 = tpu.memref_slice %arg3[%dma_start3A_816, %dma_start3A_820, %dma_start3A_821] : memref<4x128x2048xf32, #tpu.memory_space<vmem_shared>> -> memref<1x128x2048xf32, #tpu.memory_space<vmem_shared>>
    %dma_start3A_823 = tpu.memref_squeeze %dma_start3A_822 : memref<1x128x2048xf32, #tpu.memory_space<vmem_shared>> -> memref<128x2048xf32, #tpu.memory_space<vmem_shared>>
    %dma_start3A_824 = arith.constant 0 : i32
    %dma_start3A_825 = tpu.memref_slice %arg1[%add3A_815, %dma_start3A_824] : memref<4096x2048xf32, #tpu.memory_space<hbm>> -> memref<128x2048xf32, #tpu.memory_space<hbm>>
    tpu.enqueue_dma source(%dma_start3A_825 : memref<128x2048xf32, #tpu.memory_space<hbm>>) target(%dma_start3A_823 : memref<128x2048xf32, #tpu.memory_space<vmem_shared>>) target_semaphore(%dma_start3A_819 : memref<!tpu.dma_semaphore, #tpu.memory_space<semaphore_mem>>)
    %dma_wait3A_826 = arith.constant 2 : i32
    %dma_wait3A_827 = arith.constant 2 : i32
    %dma_wait3A_828 = tpu.memref_slice %arg4[%dma_wait3A_827] : memref<4x!tpu.dma_semaphore, #tpu.memory_space<semaphore_mem>> -> memref<1x!tpu.dma_semaphore, #tpu.memory_space<semaphore_mem>>
    %dma_wait3A_829 = tpu.memref_squeeze %dma_wait3A_828 : memref<1x!tpu.dma_semaphore, #tpu.memory_space<semaphore_mem>> -> memref<!tpu.dma_semaphore, #tpu.memory_space<semaphore_mem>>
    %dma_wait3A_830 = arith.constant 0 : i32
    %dma_wait3A_831 = arith.constant 0 : i32
    %dma_wait3A_832 = tpu.memref_slice %arg3[%dma_wait3A_826, %dma_wait3A_830, %dma_wait3A_831] : memref<4x128x2048xf32, #tpu.memory_space<vmem_shared>> -> memref<1x128x2048xf32, #tpu.memory_space<vmem_shared>>
    %dma_wait3A_833 = tpu.memref_squeeze %dma_wait3A_832 : memref<1x128x2048xf32, #tpu.memory_space<vmem_shared>> -> memref<128x2048xf32, #tpu.memory_space<vmem_shared>>
    %dma_wait3A_834 = arith.constant 0 : i32
    %dma_wait3A_835 = tpu.memref_slice %arg1[%add3A_581, %dma_wait3A_834] : memref<4096x2048xf32, #tpu.memory_space<hbm>> -> memref<128x2048xf32, #tpu.memory_space<hbm>>
    tpu.wait_dma2 semaphore(%dma_wait3A_829 : memref<!tpu.dma_semaphore, #tpu.memory_space<semaphore_mem>>) src(%dma_wait3A_835 : memref<128x2048xf32, #tpu.memory_space<hbm>>) dst(%dma_wait3A_833 : memref<128x2048xf32, #tpu.memory_space<vmem_shared>>)
    %add3A_836 = arith.constant 1280 : i32
    %add3A_837 = arith.addi %mul3A_0, %add3A_836 : i32
    %dma_start3A_838 = arith.constant 2 : i32
    %dma_start3A_839 = arith.constant 0 : i32
    %dma_start3A_840 = arith.constant 2 : i32
    %dma_start3A_841 = arith.constant 0 : i32
    %dma_start3A_842 = tpu.memref_slice %arg5[%dma_start3A_840, %dma_start3A_841] : memref<4x2x!tpu.dma_semaphore, #tpu.memory_space<semaphore_mem>> -> memref<1x1x!tpu.dma_semaphore, #tpu.memory_space<semaphore_mem>>
    %dma_start3A_843 = tpu.memref_squeeze %dma_start3A_842 : memref<1x1x!tpu.dma_semaphore, #tpu.memory_space<semaphore_mem>> -> memref<!tpu.dma_semaphore, #tpu.memory_space<semaphore_mem>>
    %dma_start3A_844 = arith.constant 0 : i32
    %dma_start3A_845 = tpu.memref_slice %arg2[%dma_start3A_839, %add3A_837, %dma_start3A_844] : memref<2x4096x2048xf32, #tpu.memory_space<hbm>> -> memref<1x128x2048xf32, #tpu.memory_space<hbm>>
    %dma_start3A_846 = tpu.memref_squeeze %dma_start3A_845 : memref<1x128x2048xf32, #tpu.memory_space<hbm>> -> memref<128x2048xf32, #tpu.memory_space<hbm>>
    %dma_start3A_847 = arith.constant 0 : i32
    %dma_start3A_848 = arith.constant 0 : i32
    %dma_start3A_849 = tpu.memref_slice %arg3[%dma_start3A_838, %dma_start3A_847, %dma_start3A_848] : memref<4x128x2048xf32, #tpu.memory_space<vmem_shared>> -> memref<1x128x2048xf32, #tpu.memory_space<vmem_shared>>
    %dma_start3A_850 = tpu.memref_squeeze %dma_start3A_849 : memref<1x128x2048xf32, #tpu.memory_space<vmem_shared>> -> memref<128x2048xf32, #tpu.memory_space<vmem_shared>>
    tpu.enqueue_dma source(%dma_start3A_850 : memref<128x2048xf32, #tpu.memory_space<vmem_shared>>) target(%dma_start3A_846 : memref<128x2048xf32, #tpu.memory_space<hbm>>) target_semaphore(%dma_start3A_843 : memref<!tpu.dma_semaphore, #tpu.memory_space<semaphore_mem>>)
    %add3A_851 = arith.constant 1280 : i32
    %add3A_852 = arith.addi %mul3A_0, %add3A_851 : i32
    %dma_start3A_853 = arith.constant 2 : i32
    %dma_start3A_854 = arith.constant 1 : i32
    %dma_start3A_855 = arith.constant 2 : i32
    %dma_start3A_856 = arith.constant 1 : i32
    %dma_start3A_857 = tpu.memref_slice %arg5[%dma_start3A_855, %dma_start3A_856] : memref<4x2x!tpu.dma_semaphore, #tpu.memory_space<semaphore_mem>> -> memref<1x1x!tpu.dma_semaphore, #tpu.memory_space<semaphore_mem>>
    %dma_start3A_858 = tpu.memref_squeeze %dma_start3A_857 : memref<1x1x!tpu.dma_semaphore, #tpu.memory_space<semaphore_mem>> -> memref<!tpu.dma_semaphore, #tpu.memory_space<semaphore_mem>>
    %dma_start3A_859 = arith.constant 0 : i32
    %dma_start3A_860 = tpu.memref_slice %arg2[%dma_start3A_854, %add3A_852, %dma_start3A_859] : memref<2x4096x2048xf32, #tpu.memory_space<hbm>> -> memref<1x128x2048xf32, #tpu.memory_space<hbm>>
    %dma_start3A_861 = tpu.memref_squeeze %dma_start3A_860 : memref<1x128x2048xf32, #tpu.memory_space<hbm>> -> memref<128x2048xf32, #tpu.memory_space<hbm>>
    %dma_start3A_862 = arith.constant 0 : i32
    %dma_start3A_863 = arith.constant 0 : i32
    %dma_start3A_864 = tpu.memref_slice %arg3[%dma_start3A_853, %dma_start3A_862, %dma_start3A_863] : memref<4x128x2048xf32, #tpu.memory_space<vmem_shared>> -> memref<1x128x2048xf32, #tpu.memory_space<vmem_shared>>
    %dma_start3A_865 = tpu.memref_squeeze %dma_start3A_864 : memref<1x128x2048xf32, #tpu.memory_space<vmem_shared>> -> memref<128x2048xf32, #tpu.memory_space<vmem_shared>>
    tpu.enqueue_dma source(%dma_start3A_865 : memref<128x2048xf32, #tpu.memory_space<vmem_shared>>) target(%dma_start3A_861 : memref<128x2048xf32, #tpu.memory_space<hbm>>) target_semaphore(%dma_start3A_858 : memref<!tpu.dma_semaphore, #tpu.memory_space<semaphore_mem>>)
    %dma_wait3A_866 = arith.constant 2 : i32
    %dma_wait3A_867 = arith.constant 0 : i32
    %dma_wait3A_868 = arith.constant 2 : i32
    %dma_wait3A_869 = arith.constant 0 : i32
    %dma_wait3A_870 = tpu.memref_slice %arg5[%dma_wait3A_868, %dma_wait3A_869] : memref<4x2x!tpu.dma_semaphore, #tpu.memory_space<semaphore_mem>> -> memref<1x1x!tpu.dma_semaphore, #tpu.memory_space<semaphore_mem>>
    %dma_wait3A_871 = tpu.memref_squeeze %dma_wait3A_870 : memref<1x1x!tpu.dma_semaphore, #tpu.memory_space<semaphore_mem>> -> memref<!tpu.dma_semaphore, #tpu.memory_space<semaphore_mem>>
    %dma_wait3A_872 = arith.constant 0 : i32
    %dma_wait3A_873 = tpu.memref_slice %arg2[%dma_wait3A_867, %add3A_837, %dma_wait3A_872] : memref<2x4096x2048xf32, #tpu.memory_space<hbm>> -> memref<1x128x2048xf32, #tpu.memory_space<hbm>>
    %dma_wait3A_874 = tpu.memref_squeeze %dma_wait3A_873 : memref<1x128x2048xf32, #tpu.memory_space<hbm>> -> memref<128x2048xf32, #tpu.memory_space<hbm>>
    %dma_wait3A_875 = arith.constant 0 : i32
    %dma_wait3A_876 = arith.constant 0 : i32
    %dma_wait3A_877 = tpu.memref_slice %arg3[%dma_wait3A_866, %dma_wait3A_875, %dma_wait3A_876] : memref<4x128x2048xf32, #tpu.memory_space<vmem_shared>> -> memref<1x128x2048xf32, #tpu.memory_space<vmem_shared>>
    %dma_wait3A_878 = tpu.memref_squeeze %dma_wait3A_877 : memref<1x128x2048xf32, #tpu.memory_space<vmem_shared>> -> memref<128x2048xf32, #tpu.memory_space<vmem_shared>>
    tpu.wait_dma2 semaphore(%dma_wait3A_871 : memref<!tpu.dma_semaphore, #tpu.memory_space<semaphore_mem>>) src(%dma_wait3A_878 : memref<128x2048xf32, #tpu.memory_space<vmem_shared>>) dst(%dma_wait3A_874 : memref<128x2048xf32, #tpu.memory_space<hbm>>)
    %dma_wait3A_879 = arith.constant 2 : i32
    %dma_wait3A_880 = arith.constant 1 : i32
    %dma_wait3A_881 = arith.constant 2 : i32
    %dma_wait3A_882 = arith.constant 1 : i32
    %dma_wait3A_883 = tpu.memref_slice %arg5[%dma_wait3A_881, %dma_wait3A_882] : memref<4x2x!tpu.dma_semaphore, #tpu.memory_space<semaphore_mem>> -> memref<1x1x!tpu.dma_semaphore, #tpu.memory_space<semaphore_mem>>
    %dma_wait3A_884 = tpu.memref_squeeze %dma_wait3A_883 : memref<1x1x!tpu.dma_semaphore, #tpu.memory_space<semaphore_mem>> -> memref<!tpu.dma_semaphore, #tpu.memory_space<semaphore_mem>>
    %dma_wait3A_885 = arith.constant 0 : i32
    %dma_wait3A_886 = tpu.memref_slice %arg2[%dma_wait3A_880, %add3A_852, %dma_wait3A_885] : memref<2x4096x2048xf32, #tpu.memory_space<hbm>> -> memref<1x128x2048xf32, #tpu.memory_space<hbm>>
    %dma_wait3A_887 = tpu.memref_squeeze %dma_wait3A_886 : memref<1x128x2048xf32, #tpu.memory_space<hbm>> -> memref<128x2048xf32, #tpu.memory_space<hbm>>
    %dma_wait3A_888 = arith.constant 0 : i32
    %dma_wait3A_889 = arith.constant 0 : i32
    %dma_wait3A_890 = tpu.memref_slice %arg3[%dma_wait3A_879, %dma_wait3A_888, %dma_wait3A_889] : memref<4x128x2048xf32, #tpu.memory_space<vmem_shared>> -> memref<1x128x2048xf32, #tpu.memory_space<vmem_shared>>
    %dma_wait3A_891 = tpu.memref_squeeze %dma_wait3A_890 : memref<1x128x2048xf32, #tpu.memory_space<vmem_shared>> -> memref<128x2048xf32, #tpu.memory_space<vmem_shared>>
    tpu.wait_dma2 semaphore(%dma_wait3A_884 : memref<!tpu.dma_semaphore, #tpu.memory_space<semaphore_mem>>) src(%dma_wait3A_891 : memref<128x2048xf32, #tpu.memory_space<vmem_shared>>) dst(%dma_wait3A_887 : memref<128x2048xf32, #tpu.memory_space<hbm>>)
    %add3A_892 = arith.constant 1792 : i32
    %add3A_893 = arith.addi %mul3A_0, %add3A_892 : i32
    %dma_start3A_894 = arith.constant 2 : i32
    %dma_start3A_895 = arith.constant 2 : i32
    %dma_start3A_896 = tpu.memref_slice %arg4[%dma_start3A_895] : memref<4x!tpu.dma_semaphore, #tpu.memory_space<semaphore_mem>> -> memref<1x!tpu.dma_semaphore, #tpu.memory_space<semaphore_mem>>
    %dma_start3A_897 = tpu.memref_squeeze %dma_start3A_896 : memref<1x!tpu.dma_semaphore, #tpu.memory_space<semaphore_mem>> -> memref<!tpu.dma_semaphore, #tpu.memory_space<semaphore_mem>>
    %dma_start3A_898 = arith.constant 0 : i32
    %dma_start3A_899 = arith.constant 0 : i32
    %dma_start3A_900 = tpu.memref_slice %arg3[%dma_start3A_894, %dma_start3A_898, %dma_start3A_899] : memref<4x128x2048xf32, #tpu.memory_space<vmem_shared>> -> memref<1x128x2048xf32, #tpu.memory_space<vmem_shared>>
    %dma_start3A_901 = tpu.memref_squeeze %dma_start3A_900 : memref<1x128x2048xf32, #tpu.memory_space<vmem_shared>> -> memref<128x2048xf32, #tpu.memory_space<vmem_shared>>
    %dma_start3A_902 = arith.constant 0 : i32
    %dma_start3A_903 = tpu.memref_slice %arg1[%add3A_893, %dma_start3A_902] : memref<4096x2048xf32, #tpu.memory_space<hbm>> -> memref<128x2048xf32, #tpu.memory_space<hbm>>
    tpu.enqueue_dma source(%dma_start3A_903 : memref<128x2048xf32, #tpu.memory_space<hbm>>) target(%dma_start3A_901 : memref<128x2048xf32, #tpu.memory_space<vmem_shared>>) target_semaphore(%dma_start3A_897 : memref<!tpu.dma_semaphore, #tpu.memory_space<semaphore_mem>>)
    %dma_wait3A_904 = arith.constant 3 : i32
    %dma_wait3A_905 = arith.constant 3 : i32
    %dma_wait3A_906 = tpu.memref_slice %arg4[%dma_wait3A_905] : memref<4x!tpu.dma_semaphore, #tpu.memory_space<semaphore_mem>> -> memref<1x!tpu.dma_semaphore, #tpu.memory_space<semaphore_mem>>
    %dma_wait3A_907 = tpu.memref_squeeze %dma_wait3A_906 : memref<1x!tpu.dma_semaphore, #tpu.memory_space<semaphore_mem>> -> memref<!tpu.dma_semaphore, #tpu.memory_space<semaphore_mem>>
    %dma_wait3A_908 = arith.constant 0 : i32
    %dma_wait3A_909 = arith.constant 0 : i32
    %dma_wait3A_910 = tpu.memref_slice %arg3[%dma_wait3A_904, %dma_wait3A_908, %dma_wait3A_909] : memref<4x128x2048xf32, #tpu.memory_space<vmem_shared>> -> memref<1x128x2048xf32, #tpu.memory_space<vmem_shared>>
    %dma_wait3A_911 = tpu.memref_squeeze %dma_wait3A_910 : memref<1x128x2048xf32, #tpu.memory_space<vmem_shared>> -> memref<128x2048xf32, #tpu.memory_space<vmem_shared>>
    %dma_wait3A_912 = arith.constant 0 : i32
    %dma_wait3A_913 = tpu.memref_slice %arg1[%add3A_659, %dma_wait3A_912] : memref<4096x2048xf32, #tpu.memory_space<hbm>> -> memref<128x2048xf32, #tpu.memory_space<hbm>>
    tpu.wait_dma2 semaphore(%dma_wait3A_907 : memref<!tpu.dma_semaphore, #tpu.memory_space<semaphore_mem>>) src(%dma_wait3A_913 : memref<128x2048xf32, #tpu.memory_space<hbm>>) dst(%dma_wait3A_911 : memref<128x2048xf32, #tpu.memory_space<vmem_shared>>)
    %add3A_914 = arith.constant 1408 : i32
    %add3A_915 = arith.addi %mul3A_0, %add3A_914 : i32
    %dma_start3A_916 = arith.constant 3 : i32
    %dma_start3A_917 = arith.constant 0 : i32
    %dma_start3A_918 = arith.constant 3 : i32
    %dma_start3A_919 = arith.constant 0 : i32
    %dma_start3A_920 = tpu.memref_slice %arg5[%dma_start3A_918, %dma_start3A_919] : memref<4x2x!tpu.dma_semaphore, #tpu.memory_space<semaphore_mem>> -> memref<1x1x!tpu.dma_semaphore, #tpu.memory_space<semaphore_mem>>
    %dma_start3A_921 = tpu.memref_squeeze %dma_start3A_920 : memref<1x1x!tpu.dma_semaphore, #tpu.memory_space<semaphore_mem>> -> memref<!tpu.dma_semaphore, #tpu.memory_space<semaphore_mem>>
    %dma_start3A_922 = arith.constant 0 : i32
    %dma_start3A_923 = tpu.memref_slice %arg2[%dma_start3A_917, %add3A_915, %dma_start3A_922] : memref<2x4096x2048xf32, #tpu.memory_space<hbm>> -> memref<1x128x2048xf32, #tpu.memory_space<hbm>>
    %dma_start3A_924 = tpu.memref_squeeze %dma_start3A_923 : memref<1x128x2048xf32, #tpu.memory_space<hbm>> -> memref<128x2048xf32, #tpu.memory_space<hbm>>
    %dma_start3A_925 = arith.constant 0 : i32
    %dma_start3A_926 = arith.constant 0 : i32
    %dma_start3A_927 = tpu.memref_slice %arg3[%dma_start3A_916, %dma_start3A_925, %dma_start3A_926] : memref<4x128x2048xf32, #tpu.memory_space<vmem_shared>> -> memref<1x128x2048xf32, #tpu.memory_space<vmem_shared>>
    %dma_start3A_928 = tpu.memref_squeeze %dma_start3A_927 : memref<1x128x2048xf32, #tpu.memory_space<vmem_shared>> -> memref<128x2048xf32, #tpu.memory_space<vmem_shared>>
    tpu.enqueue_dma source(%dma_start3A_928 : memref<128x2048xf32, #tpu.memory_space<vmem_shared>>) target(%dma_start3A_924 : memref<128x2048xf32, #tpu.memory_space<hbm>>) target_semaphore(%dma_start3A_921 : memref<!tpu.dma_semaphore, #tpu.memory_space<semaphore_mem>>)
    %add3A_929 = arith.constant 1408 : i32
    %add3A_930 = arith.addi %mul3A_0, %add3A_929 : i32
    %dma_start3A_931 = arith.constant 3 : i32
    %dma_start3A_932 = arith.constant 1 : i32
    %dma_start3A_933 = arith.constant 3 : i32
    %dma_start3A_934 = arith.constant 1 : i32
    %dma_start3A_935 = tpu.memref_slice %arg5[%dma_start3A_933, %dma_start3A_934] : memref<4x2x!tpu.dma_semaphore, #tpu.memory_space<semaphore_mem>> -> memref<1x1x!tpu.dma_semaphore, #tpu.memory_space<semaphore_mem>>
    %dma_start3A_936 = tpu.memref_squeeze %dma_start3A_935 : memref<1x1x!tpu.dma_semaphore, #tpu.memory_space<semaphore_mem>> -> memref<!tpu.dma_semaphore, #tpu.memory_space<semaphore_mem>>
    %dma_start3A_937 = arith.constant 0 : i32
    %dma_start3A_938 = tpu.memref_slice %arg2[%dma_start3A_932, %add3A_930, %dma_start3A_937] : memref<2x4096x2048xf32, #tpu.memory_space<hbm>> -> memref<1x128x2048xf32, #tpu.memory_space<hbm>>
    %dma_start3A_939 = tpu.memref_squeeze %dma_start3A_938 : memref<1x128x2048xf32, #tpu.memory_space<hbm>> -> memref<128x2048xf32, #tpu.memory_space<hbm>>
    %dma_start3A_940 = arith.constant 0 : i32
    %dma_start3A_941 = arith.constant 0 : i32
    %dma_start3A_942 = tpu.memref_slice %arg3[%dma_start3A_931, %dma_start3A_940, %dma_start3A_941] : memref<4x128x2048xf32, #tpu.memory_space<vmem_shared>> -> memref<1x128x2048xf32, #tpu.memory_space<vmem_shared>>
    %dma_start3A_943 = tpu.memref_squeeze %dma_start3A_942 : memref<1x128x2048xf32, #tpu.memory_space<vmem_shared>> -> memref<128x2048xf32, #tpu.memory_space<vmem_shared>>
    tpu.enqueue_dma source(%dma_start3A_943 : memref<128x2048xf32, #tpu.memory_space<vmem_shared>>) target(%dma_start3A_939 : memref<128x2048xf32, #tpu.memory_space<hbm>>) target_semaphore(%dma_start3A_936 : memref<!tpu.dma_semaphore, #tpu.memory_space<semaphore_mem>>)
    %dma_wait3A_944 = arith.constant 3 : i32
    %dma_wait3A_945 = arith.constant 0 : i32
    %dma_wait3A_946 = arith.constant 3 : i32
    %dma_wait3A_947 = arith.constant 0 : i32
    %dma_wait3A_948 = tpu.memref_slice %arg5[%dma_wait3A_946, %dma_wait3A_947] : memref<4x2x!tpu.dma_semaphore, #tpu.memory_space<semaphore_mem>> -> memref<1x1x!tpu.dma_semaphore, #tpu.memory_space<semaphore_mem>>
    %dma_wait3A_949 = tpu.memref_squeeze %dma_wait3A_948 : memref<1x1x!tpu.dma_semaphore, #tpu.memory_space<semaphore_mem>> -> memref<!tpu.dma_semaphore, #tpu.memory_space<semaphore_mem>>
    %dma_wait3A_950 = arith.constant 0 : i32
    %dma_wait3A_951 = tpu.memref_slice %arg2[%dma_wait3A_945, %add3A_915, %dma_wait3A_950] : memref<2x4096x2048xf32, #tpu.memory_space<hbm>> -> memref<1x128x2048xf32, #tpu.memory_space<hbm>>
    %dma_wait3A_952 = tpu.memref_squeeze %dma_wait3A_951 : memref<1x128x2048xf32, #tpu.memory_space<hbm>> -> memref<128x2048xf32, #tpu.memory_space<hbm>>
    %dma_wait3A_953 = arith.constant 0 : i32
    %dma_wait3A_954 = arith.constant 0 : i32
    %dma_wait3A_955 = tpu.memref_slice %arg3[%dma_wait3A_944, %dma_wait3A_953, %dma_wait3A_954] : memref<4x128x2048xf32, #tpu.memory_space<vmem_shared>> -> memref<1x128x2048xf32, #tpu.memory_space<vmem_shared>>
    %dma_wait3A_956 = tpu.memref_squeeze %dma_wait3A_955 : memref<1x128x2048xf32, #tpu.memory_space<vmem_shared>> -> memref<128x2048xf32, #tpu.memory_space<vmem_shared>>
    tpu.wait_dma2 semaphore(%dma_wait3A_949 : memref<!tpu.dma_semaphore, #tpu.memory_space<semaphore_mem>>) src(%dma_wait3A_956 : memref<128x2048xf32, #tpu.memory_space<vmem_shared>>) dst(%dma_wait3A_952 : memref<128x2048xf32, #tpu.memory_space<hbm>>)
    %dma_wait3A_957 = arith.constant 3 : i32
    %dma_wait3A_958 = arith.constant 1 : i32
    %dma_wait3A_959 = arith.constant 3 : i32
    %dma_wait3A_960 = arith.constant 1 : i32
    %dma_wait3A_961 = tpu.memref_slice %arg5[%dma_wait3A_959, %dma_wait3A_960] : memref<4x2x!tpu.dma_semaphore, #tpu.memory_space<semaphore_mem>> -> memref<1x1x!tpu.dma_semaphore, #tpu.memory_space<semaphore_mem>>
    %dma_wait3A_962 = tpu.memref_squeeze %dma_wait3A_961 : memref<1x1x!tpu.dma_semaphore, #tpu.memory_space<semaphore_mem>> -> memref<!tpu.dma_semaphore, #tpu.memory_space<semaphore_mem>>
    %dma_wait3A_963 = arith.constant 0 : i32
    %dma_wait3A_964 = tpu.memref_slice %arg2[%dma_wait3A_958, %add3A_930, %dma_wait3A_963] : memref<2x4096x2048xf32, #tpu.memory_space<hbm>> -> memref<1x128x2048xf32, #tpu.memory_space<hbm>>
    %dma_wait3A_965 = tpu.memref_squeeze %dma_wait3A_964 : memref<1x128x2048xf32, #tpu.memory_space<hbm>> -> memref<128x2048xf32, #tpu.memory_space<hbm>>
    %dma_wait3A_966 = arith.constant 0 : i32
    %dma_wait3A_967 = arith.constant 0 : i32
    %dma_wait3A_968 = tpu.memref_slice %arg3[%dma_wait3A_957, %dma_wait3A_966, %dma_wait3A_967] : memref<4x128x2048xf32, #tpu.memory_space<vmem_shared>> -> memref<1x128x2048xf32, #tpu.memory_space<vmem_shared>>
    %dma_wait3A_969 = tpu.memref_squeeze %dma_wait3A_968 : memref<1x128x2048xf32, #tpu.memory_space<vmem_shared>> -> memref<128x2048xf32, #tpu.memory_space<vmem_shared>>
    tpu.wait_dma2 semaphore(%dma_wait3A_962 : memref<!tpu.dma_semaphore, #tpu.memory_space<semaphore_mem>>) src(%dma_wait3A_969 : memref<128x2048xf32, #tpu.memory_space<vmem_shared>>) dst(%dma_wait3A_965 : memref<128x2048xf32, #tpu.memory_space<hbm>>)
    %add3A_970 = arith.constant 1920 : i32
    %add3A_971 = arith.addi %mul3A_0, %add3A_970 : i32
    %dma_start3A_972 = arith.constant 3 : i32
    %dma_start3A_973 = arith.constant 3 : i32
    %dma_start3A_974 = tpu.memref_slice %arg4[%dma_start3A_973] : memref<4x!tpu.dma_semaphore, #tpu.memory_space<semaphore_mem>> -> memref<1x!tpu.dma_semaphore, #tpu.memory_space<semaphore_mem>>
    %dma_start3A_975 = tpu.memref_squeeze %dma_start3A_974 : memref<1x!tpu.dma_semaphore, #tpu.memory_space<semaphore_mem>> -> memref<!tpu.dma_semaphore, #tpu.memory_space<semaphore_mem>>
    %dma_start3A_976 = arith.constant 0 : i32
    %dma_start3A_977 = arith.constant 0 : i32
    %dma_start3A_978 = tpu.memref_slice %arg3[%dma_start3A_972, %dma_start3A_976, %dma_start3A_977] : memref<4x128x2048xf32, #tpu.memory_space<vmem_shared>> -> memref<1x128x2048xf32, #tpu.memory_space<vmem_shared>>
    %dma_start3A_979 = tpu.memref_squeeze %dma_start3A_978 : memref<1x128x2048xf32, #tpu.memory_space<vmem_shared>> -> memref<128x2048xf32, #tpu.memory_space<vmem_shared>>
    %dma_start3A_980 = arith.constant 0 : i32
    %dma_start3A_981 = tpu.memref_slice %arg1[%add3A_971, %dma_start3A_980] : memref<4096x2048xf32, #tpu.memory_space<hbm>> -> memref<128x2048xf32, #tpu.memory_space<hbm>>
    tpu.enqueue_dma source(%dma_start3A_981 : memref<128x2048xf32, #tpu.memory_space<hbm>>) target(%dma_start3A_979 : memref<128x2048xf32, #tpu.memory_space<vmem_shared>>) target_semaphore(%dma_start3A_975 : memref<!tpu.dma_semaphore, #tpu.memory_space<semaphore_mem>>)
    %dma_wait3A_982 = arith.constant 0 : i32
    %dma_wait3A_983 = arith.constant 0 : i32
    %dma_wait3A_984 = tpu.memref_slice %arg4[%dma_wait3A_983] : memref<4x!tpu.dma_semaphore, #tpu.memory_space<semaphore_mem>> -> memref<1x!tpu.dma_semaphore, #tpu.memory_space<semaphore_mem>>
    %dma_wait3A_985 = tpu.memref_squeeze %dma_wait3A_984 : memref<1x!tpu.dma_semaphore, #tpu.memory_space<semaphore_mem>> -> memref<!tpu.dma_semaphore, #tpu.memory_space<semaphore_mem>>
    %dma_wait3A_986 = arith.constant 0 : i32
    %dma_wait3A_987 = arith.constant 0 : i32
    %dma_wait3A_988 = tpu.memref_slice %arg3[%dma_wait3A_982, %dma_wait3A_986, %dma_wait3A_987] : memref<4x128x2048xf32, #tpu.memory_space<vmem_shared>> -> memref<1x128x2048xf32, #tpu.memory_space<vmem_shared>>
    %dma_wait3A_989 = tpu.memref_squeeze %dma_wait3A_988 : memref<1x128x2048xf32, #tpu.memory_space<vmem_shared>> -> memref<128x2048xf32, #tpu.memory_space<vmem_shared>>
    %dma_wait3A_990 = arith.constant 0 : i32
    %dma_wait3A_991 = tpu.memref_slice %arg1[%add3A_737, %dma_wait3A_990] : memref<4096x2048xf32, #tpu.memory_space<hbm>> -> memref<128x2048xf32, #tpu.memory_space<hbm>>
    tpu.wait_dma2 semaphore(%dma_wait3A_985 : memref<!tpu.dma_semaphore, #tpu.memory_space<semaphore_mem>>) src(%dma_wait3A_991 : memref<128x2048xf32, #tpu.memory_space<hbm>>) dst(%dma_wait3A_989 : memref<128x2048xf32, #tpu.memory_space<vmem_shared>>)
    %add3A_992 = arith.constant 1536 : i32
    %add3A_993 = arith.addi %mul3A_0, %add3A_992 : i32
    %dma_start3A_994 = arith.constant 0 : i32
    %dma_start3A_995 = arith.constant 0 : i32
    %dma_start3A_996 = arith.constant 0 : i32
    %dma_start3A_997 = arith.constant 0 : i32
    %dma_start3A_998 = tpu.memref_slice %arg5[%dma_start3A_996, %dma_start3A_997] : memref<4x2x!tpu.dma_semaphore, #tpu.memory_space<semaphore_mem>> -> memref<1x1x!tpu.dma_semaphore, #tpu.memory_space<semaphore_mem>>
    %dma_start3A_999 = tpu.memref_squeeze %dma_start3A_998 : memref<1x1x!tpu.dma_semaphore, #tpu.memory_space<semaphore_mem>> -> memref<!tpu.dma_semaphore, #tpu.memory_space<semaphore_mem>>
    %dma_start3A_1000 = arith.constant 0 : i32
    %dma_start3A_1001 = tpu.memref_slice %arg2[%dma_start3A_995, %add3A_993, %dma_start3A_1000] : memref<2x4096x2048xf32, #tpu.memory_space<hbm>> -> memref<1x128x2048xf32, #tpu.memory_space<hbm>>
    %dma_start3A_1002 = tpu.memref_squeeze %dma_start3A_1001 : memref<1x128x2048xf32, #tpu.memory_space<hbm>> -> memref<128x2048xf32, #tpu.memory_space<hbm>>
    %dma_start3A_1003 = arith.constant 0 : i32
    %dma_start3A_1004 = arith.constant 0 : i32
    %dma_start3A_1005 = tpu.memref_slice %arg3[%dma_start3A_994, %dma_start3A_1003, %dma_start3A_1004] : memref<4x128x2048xf32, #tpu.memory_space<vmem_shared>> -> memref<1x128x2048xf32, #tpu.memory_space<vmem_shared>>
    %dma_start3A_1006 = tpu.memref_squeeze %dma_start3A_1005 : memref<1x128x2048xf32, #tpu.memory_space<vmem_shared>> -> memref<128x2048xf32, #tpu.memory_space<vmem_shared>>
    tpu.enqueue_dma source(%dma_start3A_1006 : memref<128x2048xf32, #tpu.memory_space<vmem_shared>>) target(%dma_start3A_1002 : memref<128x2048xf32, #tpu.memory_space<hbm>>) target_semaphore(%dma_start3A_999 : memref<!tpu.dma_semaphore, #tpu.memory_space<semaphore_mem>>)
    %add3A_1007 = arith.constant 1536 : i32
    %add3A_1008 = arith.addi %mul3A_0, %add3A_1007 : i32
    %dma_start3A_1009 = arith.constant 0 : i32
    %dma_start3A_1010 = arith.constant 1 : i32
    %dma_start3A_1011 = arith.constant 0 : i32
    %dma_start3A_1012 = arith.constant 1 : i32
    %dma_start3A_1013 = tpu.memref_slice %arg5[%dma_start3A_1011, %dma_start3A_1012] : memref<4x2x!tpu.dma_semaphore, #tpu.memory_space<semaphore_mem>> -> memref<1x1x!tpu.dma_semaphore, #tpu.memory_space<semaphore_mem>>
    %dma_start3A_1014 = tpu.memref_squeeze %dma_start3A_1013 : memref<1x1x!tpu.dma_semaphore, #tpu.memory_space<semaphore_mem>> -> memref<!tpu.dma_semaphore, #tpu.memory_space<semaphore_mem>>
    %dma_start3A_1015 = arith.constant 0 : i32
    %dma_start3A_1016 = tpu.memref_slice %arg2[%dma_start3A_1010, %add3A_1008, %dma_start3A_1015] : memref<2x4096x2048xf32, #tpu.memory_space<hbm>> -> memref<1x128x2048xf32, #tpu.memory_space<hbm>>
    %dma_start3A_1017 = tpu.memref_squeeze %dma_start3A_1016 : memref<1x128x2048xf32, #tpu.memory_space<hbm>> -> memref<128x2048xf32, #tpu.memory_space<hbm>>
    %dma_start3A_1018 = arith.constant 0 : i32
    %dma_start3A_1019 = arith.constant 0 : i32
    %dma_start3A_1020 = tpu.memref_slice %arg3[%dma_start3A_1009, %dma_start3A_1018, %dma_start3A_1019] : memref<4x128x2048xf32, #tpu.memory_space<vmem_shared>> -> memref<1x128x2048xf32, #tpu.memory_space<vmem_shared>>
    %dma_start3A_1021 = tpu.memref_squeeze %dma_start3A_1020 : memref<1x128x2048xf32, #tpu.memory_space<vmem_shared>> -> memref<128x2048xf32, #tpu.memory_space<vmem_shared>>
    tpu.enqueue_dma source(%dma_start3A_1021 : memref<128x2048xf32, #tpu.memory_space<vmem_shared>>) target(%dma_start3A_1017 : memref<128x2048xf32, #tpu.memory_space<hbm>>) target_semaphore(%dma_start3A_1014 : memref<!tpu.dma_semaphore, #tpu.memory_space<semaphore_mem>>)
    %dma_wait3A_1022 = arith.constant 1 : i32
    %dma_wait3A_1023 = arith.constant 1 : i32
    %dma_wait3A_1024 = tpu.memref_slice %arg4[%dma_wait3A_1023] : memref<4x!tpu.dma_semaphore, #tpu.memory_space<semaphore_mem>> -> memref<1x!tpu.dma_semaphore, #tpu.memory_space<semaphore_mem>>
    %dma_wait3A_1025 = tpu.memref_squeeze %dma_wait3A_1024 : memref<1x!tpu.dma_semaphore, #tpu.memory_space<semaphore_mem>> -> memref<!tpu.dma_semaphore, #tpu.memory_space<semaphore_mem>>
    %dma_wait3A_1026 = arith.constant 0 : i32
    %dma_wait3A_1027 = arith.constant 0 : i32
    %dma_wait3A_1028 = tpu.memref_slice %arg3[%dma_wait3A_1022, %dma_wait3A_1026, %dma_wait3A_1027] : memref<4x128x2048xf32, #tpu.memory_space<vmem_shared>> -> memref<1x128x2048xf32, #tpu.memory_space<vmem_shared>>
    %dma_wait3A_1029 = tpu.memref_squeeze %dma_wait3A_1028 : memref<1x128x2048xf32, #tpu.memory_space<vmem_shared>> -> memref<128x2048xf32, #tpu.memory_space<vmem_shared>>
    %dma_wait3A_1030 = arith.constant 0 : i32
    %dma_wait3A_1031 = tpu.memref_slice %arg1[%add3A_815, %dma_wait3A_1030] : memref<4096x2048xf32, #tpu.memory_space<hbm>> -> memref<128x2048xf32, #tpu.memory_space<hbm>>
    tpu.wait_dma2 semaphore(%dma_wait3A_1025 : memref<!tpu.dma_semaphore, #tpu.memory_space<semaphore_mem>>) src(%dma_wait3A_1031 : memref<128x2048xf32, #tpu.memory_space<hbm>>) dst(%dma_wait3A_1029 : memref<128x2048xf32, #tpu.memory_space<vmem_shared>>)
    %add3A_1032 = arith.constant 1664 : i32
    %add3A_1033 = arith.addi %mul3A_0, %add3A_1032 : i32
    %dma_start3A_1034 = arith.constant 1 : i32
    %dma_start3A_1035 = arith.constant 0 : i32
    %dma_start3A_1036 = arith.constant 1 : i32
    %dma_start3A_1037 = arith.constant 0 : i32
    %dma_start3A_1038 = tpu.memref_slice %arg5[%dma_start3A_1036, %dma_start3A_1037] : memref<4x2x!tpu.dma_semaphore, #tpu.memory_space<semaphore_mem>> -> memref<1x1x!tpu.dma_semaphore, #tpu.memory_space<semaphore_mem>>
    %dma_start3A_1039 = tpu.memref_squeeze %dma_start3A_1038 : memref<1x1x!tpu.dma_semaphore, #tpu.memory_space<semaphore_mem>> -> memref<!tpu.dma_semaphore, #tpu.memory_space<semaphore_mem>>
    %dma_start3A_1040 = arith.constant 0 : i32
    %dma_start3A_1041 = tpu.memref_slice %arg2[%dma_start3A_1035, %add3A_1033, %dma_start3A_1040] : memref<2x4096x2048xf32, #tpu.memory_space<hbm>> -> memref<1x128x2048xf32, #tpu.memory_space<hbm>>
    %dma_start3A_1042 = tpu.memref_squeeze %dma_start3A_1041 : memref<1x128x2048xf32, #tpu.memory_space<hbm>> -> memref<128x2048xf32, #tpu.memory_space<hbm>>
    %dma_start3A_1043 = arith.constant 0 : i32
    %dma_start3A_1044 = arith.constant 0 : i32
    %dma_start3A_1045 = tpu.memref_slice %arg3[%dma_start3A_1034, %dma_start3A_1043, %dma_start3A_1044] : memref<4x128x2048xf32, #tpu.memory_space<vmem_shared>> -> memref<1x128x2048xf32, #tpu.memory_space<vmem_shared>>
    %dma_start3A_1046 = tpu.memref_squeeze %dma_start3A_1045 : memref<1x128x2048xf32, #tpu.memory_space<vmem_shared>> -> memref<128x2048xf32, #tpu.memory_space<vmem_shared>>
    tpu.enqueue_dma source(%dma_start3A_1046 : memref<128x2048xf32, #tpu.memory_space<vmem_shared>>) target(%dma_start3A_1042 : memref<128x2048xf32, #tpu.memory_space<hbm>>) target_semaphore(%dma_start3A_1039 : memref<!tpu.dma_semaphore, #tpu.memory_space<semaphore_mem>>)
    %add3A_1047 = arith.constant 1664 : i32
    %add3A_1048 = arith.addi %mul3A_0, %add3A_1047 : i32
    %dma_start3A_1049 = arith.constant 1 : i32
    %dma_start3A_1050 = arith.constant 1 : i32
    %dma_start3A_1051 = arith.constant 1 : i32
    %dma_start3A_1052 = arith.constant 1 : i32
    %dma_start3A_1053 = tpu.memref_slice %arg5[%dma_start3A_1051, %dma_start3A_1052] : memref<4x2x!tpu.dma_semaphore, #tpu.memory_space<semaphore_mem>> -> memref<1x1x!tpu.dma_semaphore, #tpu.memory_space<semaphore_mem>>
    %dma_start3A_1054 = tpu.memref_squeeze %dma_start3A_1053 : memref<1x1x!tpu.dma_semaphore, #tpu.memory_space<semaphore_mem>> -> memref<!tpu.dma_semaphore, #tpu.memory_space<semaphore_mem>>
    %dma_start3A_1055 = arith.constant 0 : i32
    %dma_start3A_1056 = tpu.memref_slice %arg2[%dma_start3A_1050, %add3A_1048, %dma_start3A_1055] : memref<2x4096x2048xf32, #tpu.memory_space<hbm>> -> memref<1x128x2048xf32, #tpu.memory_space<hbm>>
    %dma_start3A_1057 = tpu.memref_squeeze %dma_start3A_1056 : memref<1x128x2048xf32, #tpu.memory_space<hbm>> -> memref<128x2048xf32, #tpu.memory_space<hbm>>
    %dma_start3A_1058 = arith.constant 0 : i32
    %dma_start3A_1059 = arith.constant 0 : i32
    %dma_start3A_1060 = tpu.memref_slice %arg3[%dma_start3A_1049, %dma_start3A_1058, %dma_start3A_1059] : memref<4x128x2048xf32, #tpu.memory_space<vmem_shared>> -> memref<1x128x2048xf32, #tpu.memory_space<vmem_shared>>
    %dma_start3A_1061 = tpu.memref_squeeze %dma_start3A_1060 : memref<1x128x2048xf32, #tpu.memory_space<vmem_shared>> -> memref<128x2048xf32, #tpu.memory_space<vmem_shared>>
    tpu.enqueue_dma source(%dma_start3A_1061 : memref<128x2048xf32, #tpu.memory_space<vmem_shared>>) target(%dma_start3A_1057 : memref<128x2048xf32, #tpu.memory_space<hbm>>) target_semaphore(%dma_start3A_1054 : memref<!tpu.dma_semaphore, #tpu.memory_space<semaphore_mem>>)
    %dma_wait3A_1062 = arith.constant 2 : i32
    %dma_wait3A_1063 = arith.constant 2 : i32
    %dma_wait3A_1064 = tpu.memref_slice %arg4[%dma_wait3A_1063] : memref<4x!tpu.dma_semaphore, #tpu.memory_space<semaphore_mem>> -> memref<1x!tpu.dma_semaphore, #tpu.memory_space<semaphore_mem>>
    %dma_wait3A_1065 = tpu.memref_squeeze %dma_wait3A_1064 : memref<1x!tpu.dma_semaphore, #tpu.memory_space<semaphore_mem>> -> memref<!tpu.dma_semaphore, #tpu.memory_space<semaphore_mem>>
    %dma_wait3A_1066 = arith.constant 0 : i32
    %dma_wait3A_1067 = arith.constant 0 : i32
    %dma_wait3A_1068 = tpu.memref_slice %arg3[%dma_wait3A_1062, %dma_wait3A_1066, %dma_wait3A_1067] : memref<4x128x2048xf32, #tpu.memory_space<vmem_shared>> -> memref<1x128x2048xf32, #tpu.memory_space<vmem_shared>>
    %dma_wait3A_1069 = tpu.memref_squeeze %dma_wait3A_1068 : memref<1x128x2048xf32, #tpu.memory_space<vmem_shared>> -> memref<128x2048xf32, #tpu.memory_space<vmem_shared>>
    %dma_wait3A_1070 = arith.constant 0 : i32
    %dma_wait3A_1071 = tpu.memref_slice %arg1[%add3A_893, %dma_wait3A_1070] : memref<4096x2048xf32, #tpu.memory_space<hbm>> -> memref<128x2048xf32, #tpu.memory_space<hbm>>
    tpu.wait_dma2 semaphore(%dma_wait3A_1065 : memref<!tpu.dma_semaphore, #tpu.memory_space<semaphore_mem>>) src(%dma_wait3A_1071 : memref<128x2048xf32, #tpu.memory_space<hbm>>) dst(%dma_wait3A_1069 : memref<128x2048xf32, #tpu.memory_space<vmem_shared>>)
    %add3A_1072 = arith.constant 1792 : i32
    %add3A_1073 = arith.addi %mul3A_0, %add3A_1072 : i32
    %dma_start3A_1074 = arith.constant 2 : i32
    %dma_start3A_1075 = arith.constant 0 : i32
    %dma_start3A_1076 = arith.constant 2 : i32
    %dma_start3A_1077 = arith.constant 0 : i32
    %dma_start3A_1078 = tpu.memref_slice %arg5[%dma_start3A_1076, %dma_start3A_1077] : memref<4x2x!tpu.dma_semaphore, #tpu.memory_space<semaphore_mem>> -> memref<1x1x!tpu.dma_semaphore, #tpu.memory_space<semaphore_mem>>
    %dma_start3A_1079 = tpu.memref_squeeze %dma_start3A_1078 : memref<1x1x!tpu.dma_semaphore, #tpu.memory_space<semaphore_mem>> -> memref<!tpu.dma_semaphore, #tpu.memory_space<semaphore_mem>>
    %dma_start3A_1080 = arith.constant 0 : i32
    %dma_start3A_1081 = tpu.memref_slice %arg2[%dma_start3A_1075, %add3A_1073, %dma_start3A_1080] : memref<2x4096x2048xf32, #tpu.memory_space<hbm>> -> memref<1x128x2048xf32, #tpu.memory_space<hbm>>
    %dma_start3A_1082 = tpu.memref_squeeze %dma_start3A_1081 : memref<1x128x2048xf32, #tpu.memory_space<hbm>> -> memref<128x2048xf32, #tpu.memory_space<hbm>>
    %dma_start3A_1083 = arith.constant 0 : i32
    %dma_start3A_1084 = arith.constant 0 : i32
    %dma_start3A_1085 = tpu.memref_slice %arg3[%dma_start3A_1074, %dma_start3A_1083, %dma_start3A_1084] : memref<4x128x2048xf32, #tpu.memory_space<vmem_shared>> -> memref<1x128x2048xf32, #tpu.memory_space<vmem_shared>>
    %dma_start3A_1086 = tpu.memref_squeeze %dma_start3A_1085 : memref<1x128x2048xf32, #tpu.memory_space<vmem_shared>> -> memref<128x2048xf32, #tpu.memory_space<vmem_shared>>
    tpu.enqueue_dma source(%dma_start3A_1086 : memref<128x2048xf32, #tpu.memory_space<vmem_shared>>) target(%dma_start3A_1082 : memref<128x2048xf32, #tpu.memory_space<hbm>>) target_semaphore(%dma_start3A_1079 : memref<!tpu.dma_semaphore, #tpu.memory_space<semaphore_mem>>)
    %add3A_1087 = arith.constant 1792 : i32
    %add3A_1088 = arith.addi %mul3A_0, %add3A_1087 : i32
    %dma_start3A_1089 = arith.constant 2 : i32
    %dma_start3A_1090 = arith.constant 1 : i32
    %dma_start3A_1091 = arith.constant 2 : i32
    %dma_start3A_1092 = arith.constant 1 : i32
    %dma_start3A_1093 = tpu.memref_slice %arg5[%dma_start3A_1091, %dma_start3A_1092] : memref<4x2x!tpu.dma_semaphore, #tpu.memory_space<semaphore_mem>> -> memref<1x1x!tpu.dma_semaphore, #tpu.memory_space<semaphore_mem>>
    %dma_start3A_1094 = tpu.memref_squeeze %dma_start3A_1093 : memref<1x1x!tpu.dma_semaphore, #tpu.memory_space<semaphore_mem>> -> memref<!tpu.dma_semaphore, #tpu.memory_space<semaphore_mem>>
    %dma_start3A_1095 = arith.constant 0 : i32
    %dma_start3A_1096 = tpu.memref_slice %arg2[%dma_start3A_1090, %add3A_1088, %dma_start3A_1095] : memref<2x4096x2048xf32, #tpu.memory_space<hbm>> -> memref<1x128x2048xf32, #tpu.memory_space<hbm>>
    %dma_start3A_1097 = tpu.memref_squeeze %dma_start3A_1096 : memref<1x128x2048xf32, #tpu.memory_space<hbm>> -> memref<128x2048xf32, #tpu.memory_space<hbm>>
    %dma_start3A_1098 = arith.constant 0 : i32
    %dma_start3A_1099 = arith.constant 0 : i32
    %dma_start3A_1100 = tpu.memref_slice %arg3[%dma_start3A_1089, %dma_start3A_1098, %dma_start3A_1099] : memref<4x128x2048xf32, #tpu.memory_space<vmem_shared>> -> memref<1x128x2048xf32, #tpu.memory_space<vmem_shared>>
    %dma_start3A_1101 = tpu.memref_squeeze %dma_start3A_1100 : memref<1x128x2048xf32, #tpu.memory_space<vmem_shared>> -> memref<128x2048xf32, #tpu.memory_space<vmem_shared>>
    tpu.enqueue_dma source(%dma_start3A_1101 : memref<128x2048xf32, #tpu.memory_space<vmem_shared>>) target(%dma_start3A_1097 : memref<128x2048xf32, #tpu.memory_space<hbm>>) target_semaphore(%dma_start3A_1094 : memref<!tpu.dma_semaphore, #tpu.memory_space<semaphore_mem>>)
    %dma_wait3A_1102 = arith.constant 3 : i32
    %dma_wait3A_1103 = arith.constant 3 : i32
    %dma_wait3A_1104 = tpu.memref_slice %arg4[%dma_wait3A_1103] : memref<4x!tpu.dma_semaphore, #tpu.memory_space<semaphore_mem>> -> memref<1x!tpu.dma_semaphore, #tpu.memory_space<semaphore_mem>>
    %dma_wait3A_1105 = tpu.memref_squeeze %dma_wait3A_1104 : memref<1x!tpu.dma_semaphore, #tpu.memory_space<semaphore_mem>> -> memref<!tpu.dma_semaphore, #tpu.memory_space<semaphore_mem>>
    %dma_wait3A_1106 = arith.constant 0 : i32
    %dma_wait3A_1107 = arith.constant 0 : i32
    %dma_wait3A_1108 = tpu.memref_slice %arg3[%dma_wait3A_1102, %dma_wait3A_1106, %dma_wait3A_1107] : memref<4x128x2048xf32, #tpu.memory_space<vmem_shared>> -> memref<1x128x2048xf32, #tpu.memory_space<vmem_shared>>
    %dma_wait3A_1109 = tpu.memref_squeeze %dma_wait3A_1108 : memref<1x128x2048xf32, #tpu.memory_space<vmem_shared>> -> memref<128x2048xf32, #tpu.memory_space<vmem_shared>>
    %dma_wait3A_1110 = arith.constant 0 : i32
    %dma_wait3A_1111 = tpu.memref_slice %arg1[%add3A_971, %dma_wait3A_1110] : memref<4096x2048xf32, #tpu.memory_space<hbm>> -> memref<128x2048xf32, #tpu.memory_space<hbm>>
    tpu.wait_dma2 semaphore(%dma_wait3A_1105 : memref<!tpu.dma_semaphore, #tpu.memory_space<semaphore_mem>>) src(%dma_wait3A_1111 : memref<128x2048xf32, #tpu.memory_space<hbm>>) dst(%dma_wait3A_1109 : memref<128x2048xf32, #tpu.memory_space<vmem_shared>>)
    %add3A_1112 = arith.constant 1920 : i32
    %add3A_1113 = arith.addi %mul3A_0, %add3A_1112 : i32
    %dma_start3A_1114 = arith.constant 3 : i32
    %dma_start3A_1115 = arith.constant 0 : i32
    %dma_start3A_1116 = arith.constant 3 : i32
    %dma_start3A_1117 = arith.constant 0 : i32
    %dma_start3A_1118 = tpu.memref_slice %arg5[%dma_start3A_1116, %dma_start3A_1117] : memref<4x2x!tpu.dma_semaphore, #tpu.memory_space<semaphore_mem>> -> memref<1x1x!tpu.dma_semaphore, #tpu.memory_space<semaphore_mem>>
    %dma_start3A_1119 = tpu.memref_squeeze %dma_start3A_1118 : memref<1x1x!tpu.dma_semaphore, #tpu.memory_space<semaphore_mem>> -> memref<!tpu.dma_semaphore, #tpu.memory_space<semaphore_mem>>
    %dma_start3A_1120 = arith.constant 0 : i32
    %dma_start3A_1121 = tpu.memref_slice %arg2[%dma_start3A_1115, %add3A_1113, %dma_start3A_1120] : memref<2x4096x2048xf32, #tpu.memory_space<hbm>> -> memref<1x128x2048xf32, #tpu.memory_space<hbm>>
    %dma_start3A_1122 = tpu.memref_squeeze %dma_start3A_1121 : memref<1x128x2048xf32, #tpu.memory_space<hbm>> -> memref<128x2048xf32, #tpu.memory_space<hbm>>
    %dma_start3A_1123 = arith.constant 0 : i32
    %dma_start3A_1124 = arith.constant 0 : i32
    %dma_start3A_1125 = tpu.memref_slice %arg3[%dma_start3A_1114, %dma_start3A_1123, %dma_start3A_1124] : memref<4x128x2048xf32, #tpu.memory_space<vmem_shared>> -> memref<1x128x2048xf32, #tpu.memory_space<vmem_shared>>
    %dma_start3A_1126 = tpu.memref_squeeze %dma_start3A_1125 : memref<1x128x2048xf32, #tpu.memory_space<vmem_shared>> -> memref<128x2048xf32, #tpu.memory_space<vmem_shared>>
    tpu.enqueue_dma source(%dma_start3A_1126 : memref<128x2048xf32, #tpu.memory_space<vmem_shared>>) target(%dma_start3A_1122 : memref<128x2048xf32, #tpu.memory_space<hbm>>) target_semaphore(%dma_start3A_1119 : memref<!tpu.dma_semaphore, #tpu.memory_space<semaphore_mem>>)
    %add3A_1127 = arith.constant 1920 : i32
    %add3A_1128 = arith.addi %mul3A_0, %add3A_1127 : i32
    %dma_start3A_1129 = arith.constant 3 : i32
    %dma_start3A_1130 = arith.constant 1 : i32
    %dma_start3A_1131 = arith.constant 3 : i32
    %dma_start3A_1132 = arith.constant 1 : i32
    %dma_start3A_1133 = tpu.memref_slice %arg5[%dma_start3A_1131, %dma_start3A_1132] : memref<4x2x!tpu.dma_semaphore, #tpu.memory_space<semaphore_mem>> -> memref<1x1x!tpu.dma_semaphore, #tpu.memory_space<semaphore_mem>>
    %dma_start3A_1134 = tpu.memref_squeeze %dma_start3A_1133 : memref<1x1x!tpu.dma_semaphore, #tpu.memory_space<semaphore_mem>> -> memref<!tpu.dma_semaphore, #tpu.memory_space<semaphore_mem>>
    %dma_start3A_1135 = arith.constant 0 : i32
    %dma_start3A_1136 = tpu.memref_slice %arg2[%dma_start3A_1130, %add3A_1128, %dma_start3A_1135] : memref<2x4096x2048xf32, #tpu.memory_space<hbm>> -> memref<1x128x2048xf32, #tpu.memory_space<hbm>>
    %dma_start3A_1137 = tpu.memref_squeeze %dma_start3A_1136 : memref<1x128x2048xf32, #tpu.memory_space<hbm>> -> memref<128x2048xf32, #tpu.memory_space<hbm>>
    %dma_start3A_1138 = arith.constant 0 : i32
    %dma_start3A_1139 = arith.constant 0 : i32
    %dma_start3A_1140 = tpu.memref_slice %arg3[%dma_start3A_1129, %dma_start3A_1138, %dma_start3A_1139] : memref<4x128x2048xf32, #tpu.memory_space<vmem_shared>> -> memref<1x128x2048xf32, #tpu.memory_space<vmem_shared>>
    %dma_start3A_1141 = tpu.memref_squeeze %dma_start3A_1140 : memref<1x128x2048xf32, #tpu.memory_space<vmem_shared>> -> memref<128x2048xf32, #tpu.memory_space<vmem_shared>>
    tpu.enqueue_dma source(%dma_start3A_1141 : memref<128x2048xf32, #tpu.memory_space<vmem_shared>>) target(%dma_start3A_1137 : memref<128x2048xf32, #tpu.memory_space<hbm>>) target_semaphore(%dma_start3A_1134 : memref<!tpu.dma_semaphore, #tpu.memory_space<semaphore_mem>>)
    %dma_wait3A_1142 = arith.constant 0 : i32
    %dma_wait3A_1143 = arith.constant 0 : i32
    %dma_wait3A_1144 = arith.constant 0 : i32
    %dma_wait3A_1145 = arith.constant 0 : i32
    %dma_wait3A_1146 = tpu.memref_slice %arg5[%dma_wait3A_1144, %dma_wait3A_1145] : memref<4x2x!tpu.dma_semaphore, #tpu.memory_space<semaphore_mem>> -> memref<1x1x!tpu.dma_semaphore, #tpu.memory_space<semaphore_mem>>
    %dma_wait3A_1147 = tpu.memref_squeeze %dma_wait3A_1146 : memref<1x1x!tpu.dma_semaphore, #tpu.memory_space<semaphore_mem>> -> memref<!tpu.dma_semaphore, #tpu.memory_space<semaphore_mem>>
    %dma_wait3A_1148 = arith.constant 0 : i32
    %dma_wait3A_1149 = tpu.memref_slice %arg2[%dma_wait3A_1143, %add3A_993, %dma_wait3A_1148] : memref<2x4096x2048xf32, #tpu.memory_space<hbm>> -> memref<1x128x2048xf32, #tpu.memory_space<hbm>>
    %dma_wait3A_1150 = tpu.memref_squeeze %dma_wait3A_1149 : memref<1x128x2048xf32, #tpu.memory_space<hbm>> -> memref<128x2048xf32, #tpu.memory_space<hbm>>
    %dma_wait3A_1151 = arith.constant 0 : i32
    %dma_wait3A_1152 = arith.constant 0 : i32
    %dma_wait3A_1153 = tpu.memref_slice %arg3[%dma_wait3A_1142, %dma_wait3A_1151, %dma_wait3A_1152] : memref<4x128x2048xf32, #tpu.memory_space<vmem_shared>> -> memref<1x128x2048xf32, #tpu.memory_space<vmem_shared>>
    %dma_wait3A_1154 = tpu.memref_squeeze %dma_wait3A_1153 : memref<1x128x2048xf32, #tpu.memory_space<vmem_shared>> -> memref<128x2048xf32, #tpu.memory_space<vmem_shared>>
    tpu.wait_dma2 semaphore(%dma_wait3A_1147 : memref<!tpu.dma_semaphore, #tpu.memory_space<semaphore_mem>>) src(%dma_wait3A_1154 : memref<128x2048xf32, #tpu.memory_space<vmem_shared>>) dst(%dma_wait3A_1150 : memref<128x2048xf32, #tpu.memory_space<hbm>>)
    %dma_wait3A_1155 = arith.constant 0 : i32
    %dma_wait3A_1156 = arith.constant 1 : i32
    %dma_wait3A_1157 = arith.constant 0 : i32
    %dma_wait3A_1158 = arith.constant 1 : i32
    %dma_wait3A_1159 = tpu.memref_slice %arg5[%dma_wait3A_1157, %dma_wait3A_1158] : memref<4x2x!tpu.dma_semaphore, #tpu.memory_space<semaphore_mem>> -> memref<1x1x!tpu.dma_semaphore, #tpu.memory_space<semaphore_mem>>
    %dma_wait3A_1160 = tpu.memref_squeeze %dma_wait3A_1159 : memref<1x1x!tpu.dma_semaphore, #tpu.memory_space<semaphore_mem>> -> memref<!tpu.dma_semaphore, #tpu.memory_space<semaphore_mem>>
    %dma_wait3A_1161 = arith.constant 0 : i32
    %dma_wait3A_1162 = tpu.memref_slice %arg2[%dma_wait3A_1156, %add3A_1008, %dma_wait3A_1161] : memref<2x4096x2048xf32, #tpu.memory_space<hbm>> -> memref<1x128x2048xf32, #tpu.memory_space<hbm>>
    %dma_wait3A_1163 = tpu.memref_squeeze %dma_wait3A_1162 : memref<1x128x2048xf32, #tpu.memory_space<hbm>> -> memref<128x2048xf32, #tpu.memory_space<hbm>>
    %dma_wait3A_1164 = arith.constant 0 : i32
    %dma_wait3A_1165 = arith.constant 0 : i32
    %dma_wait3A_1166 = tpu.memref_slice %arg3[%dma_wait3A_1155, %dma_wait3A_1164, %dma_wait3A_1165] : memref<4x128x2048xf32, #tpu.memory_space<vmem_shared>> -> memref<1x128x2048xf32, #tpu.memory_space<vmem_shared>>
    %dma_wait3A_1167 = tpu.memref_squeeze %dma_wait3A_1166 : memref<1x128x2048xf32, #tpu.memory_space<vmem_shared>> -> memref<128x2048xf32, #tpu.memory_space<vmem_shared>>
    tpu.wait_dma2 semaphore(%dma_wait3A_1160 : memref<!tpu.dma_semaphore, #tpu.memory_space<semaphore_mem>>) src(%dma_wait3A_1167 : memref<128x2048xf32, #tpu.memory_space<vmem_shared>>) dst(%dma_wait3A_1163 : memref<128x2048xf32, #tpu.memory_space<hbm>>)
    %dma_wait3A_1168 = arith.constant 1 : i32
    %dma_wait3A_1169 = arith.constant 0 : i32
    %dma_wait3A_1170 = arith.constant 1 : i32
    %dma_wait3A_1171 = arith.constant 0 : i32
    %dma_wait3A_1172 = tpu.memref_slice %arg5[%dma_wait3A_1170, %dma_wait3A_1171] : memref<4x2x!tpu.dma_semaphore, #tpu.memory_space<semaphore_mem>> -> memref<1x1x!tpu.dma_semaphore, #tpu.memory_space<semaphore_mem>>
    %dma_wait3A_1173 = tpu.memref_squeeze %dma_wait3A_1172 : memref<1x1x!tpu.dma_semaphore, #tpu.memory_space<semaphore_mem>> -> memref<!tpu.dma_semaphore, #tpu.memory_space<semaphore_mem>>
    %dma_wait3A_1174 = arith.constant 0 : i32
    %dma_wait3A_1175 = tpu.memref_slice %arg2[%dma_wait3A_1169, %add3A_1033, %dma_wait3A_1174] : memref<2x4096x2048xf32, #tpu.memory_space<hbm>> -> memref<1x128x2048xf32, #tpu.memory_space<hbm>>
    %dma_wait3A_1176 = tpu.memref_squeeze %dma_wait3A_1175 : memref<1x128x2048xf32, #tpu.memory_space<hbm>> -> memref<128x2048xf32, #tpu.memory_space<hbm>>
    %dma_wait3A_1177 = arith.constant 0 : i32
    %dma_wait3A_1178 = arith.constant 0 : i32
    %dma_wait3A_1179 = tpu.memref_slice %arg3[%dma_wait3A_1168, %dma_wait3A_1177, %dma_wait3A_1178] : memref<4x128x2048xf32, #tpu.memory_space<vmem_shared>> -> memref<1x128x2048xf32, #tpu.memory_space<vmem_shared>>
    %dma_wait3A_1180 = tpu.memref_squeeze %dma_wait3A_1179 : memref<1x128x2048xf32, #tpu.memory_space<vmem_shared>> -> memref<128x2048xf32, #tpu.memory_space<vmem_shared>>
    tpu.wait_dma2 semaphore(%dma_wait3A_1173 : memref<!tpu.dma_semaphore, #tpu.memory_space<semaphore_mem>>) src(%dma_wait3A_1180 : memref<128x2048xf32, #tpu.memory_space<vmem_shared>>) dst(%dma_wait3A_1176 : memref<128x2048xf32, #tpu.memory_space<hbm>>)
    %dma_wait3A_1181 = arith.constant 1 : i32
    %dma_wait3A_1182 = arith.constant 1 : i32
    %dma_wait3A_1183 = arith.constant 1 : i32
    %dma_wait3A_1184 = arith.constant 1 : i32
    %dma_wait3A_1185 = tpu.memref_slice %arg5[%dma_wait3A_1183, %dma_wait3A_1184] : memref<4x2x!tpu.dma_semaphore, #tpu.memory_space<semaphore_mem>> -> memref<1x1x!tpu.dma_semaphore, #tpu.memory_space<semaphore_mem>>
    %dma_wait3A_1186 = tpu.memref_squeeze %dma_wait3A_1185 : memref<1x1x!tpu.dma_semaphore, #tpu.memory_space<semaphore_mem>> -> memref<!tpu.dma_semaphore, #tpu.memory_space<semaphore_mem>>
    %dma_wait3A_1187 = arith.constant 0 : i32
    %dma_wait3A_1188 = tpu.memref_slice %arg2[%dma_wait3A_1182, %add3A_1048, %dma_wait3A_1187] : memref<2x4096x2048xf32, #tpu.memory_space<hbm>> -> memref<1x128x2048xf32, #tpu.memory_space<hbm>>
    %dma_wait3A_1189 = tpu.memref_squeeze %dma_wait3A_1188 : memref<1x128x2048xf32, #tpu.memory_space<hbm>> -> memref<128x2048xf32, #tpu.memory_space<hbm>>
    %dma_wait3A_1190 = arith.constant 0 : i32
    %dma_wait3A_1191 = arith.constant 0 : i32
    %dma_wait3A_1192 = tpu.memref_slice %arg3[%dma_wait3A_1181, %dma_wait3A_1190, %dma_wait3A_1191] : memref<4x128x2048xf32, #tpu.memory_space<vmem_shared>> -> memref<1x128x2048xf32, #tpu.memory_space<vmem_shared>>
    %dma_wait3A_1193 = tpu.memref_squeeze %dma_wait3A_1192 : memref<1x128x2048xf32, #tpu.memory_space<vmem_shared>> -> memref<128x2048xf32, #tpu.memory_space<vmem_shared>>
    tpu.wait_dma2 semaphore(%dma_wait3A_1186 : memref<!tpu.dma_semaphore, #tpu.memory_space<semaphore_mem>>) src(%dma_wait3A_1193 : memref<128x2048xf32, #tpu.memory_space<vmem_shared>>) dst(%dma_wait3A_1189 : memref<128x2048xf32, #tpu.memory_space<hbm>>)
    %dma_wait3A_1194 = arith.constant 2 : i32
    %dma_wait3A_1195 = arith.constant 0 : i32
    %dma_wait3A_1196 = arith.constant 2 : i32
    %dma_wait3A_1197 = arith.constant 0 : i32
    %dma_wait3A_1198 = tpu.memref_slice %arg5[%dma_wait3A_1196, %dma_wait3A_1197] : memref<4x2x!tpu.dma_semaphore, #tpu.memory_space<semaphore_mem>> -> memref<1x1x!tpu.dma_semaphore, #tpu.memory_space<semaphore_mem>>
    %dma_wait3A_1199 = tpu.memref_squeeze %dma_wait3A_1198 : memref<1x1x!tpu.dma_semaphore, #tpu.memory_space<semaphore_mem>> -> memref<!tpu.dma_semaphore, #tpu.memory_space<semaphore_mem>>
    %dma_wait3A_1200 = arith.constant 0 : i32
    %dma_wait3A_1201 = tpu.memref_slice %arg2[%dma_wait3A_1195, %add3A_1073, %dma_wait3A_1200] : memref<2x4096x2048xf32, #tpu.memory_space<hbm>> -> memref<1x128x2048xf32, #tpu.memory_space<hbm>>
    %dma_wait3A_1202 = tpu.memref_squeeze %dma_wait3A_1201 : memref<1x128x2048xf32, #tpu.memory_space<hbm>> -> memref<128x2048xf32, #tpu.memory_space<hbm>>
    %dma_wait3A_1203 = arith.constant 0 : i32
    %dma_wait3A_1204 = arith.constant 0 : i32
    %dma_wait3A_1205 = tpu.memref_slice %arg3[%dma_wait3A_1194, %dma_wait3A_1203, %dma_wait3A_1204] : memref<4x128x2048xf32, #tpu.memory_space<vmem_shared>> -> memref<1x128x2048xf32, #tpu.memory_space<vmem_shared>>
    %dma_wait3A_1206 = tpu.memref_squeeze %dma_wait3A_1205 : memref<1x128x2048xf32, #tpu.memory_space<vmem_shared>> -> memref<128x2048xf32, #tpu.memory_space<vmem_shared>>
    tpu.wait_dma2 semaphore(%dma_wait3A_1199 : memref<!tpu.dma_semaphore, #tpu.memory_space<semaphore_mem>>) src(%dma_wait3A_1206 : memref<128x2048xf32, #tpu.memory_space<vmem_shared>>) dst(%dma_wait3A_1202 : memref<128x2048xf32, #tpu.memory_space<hbm>>)
    %dma_wait3A_1207 = arith.constant 2 : i32
    %dma_wait3A_1208 = arith.constant 1 : i32
    %dma_wait3A_1209 = arith.constant 2 : i32
    %dma_wait3A_1210 = arith.constant 1 : i32
    %dma_wait3A_1211 = tpu.memref_slice %arg5[%dma_wait3A_1209, %dma_wait3A_1210] : memref<4x2x!tpu.dma_semaphore, #tpu.memory_space<semaphore_mem>> -> memref<1x1x!tpu.dma_semaphore, #tpu.memory_space<semaphore_mem>>
    %dma_wait3A_1212 = tpu.memref_squeeze %dma_wait3A_1211 : memref<1x1x!tpu.dma_semaphore, #tpu.memory_space<semaphore_mem>> -> memref<!tpu.dma_semaphore, #tpu.memory_space<semaphore_mem>>
    %dma_wait3A_1213 = arith.constant 0 : i32
    %dma_wait3A_1214 = tpu.memref_slice %arg2[%dma_wait3A_1208, %add3A_1088, %dma_wait3A_1213] : memref<2x4096x2048xf32, #tpu.memory_space<hbm>> -> memref<1x128x2048xf32, #tpu.memory_space<hbm>>
    %dma_wait3A_1215 = tpu.memref_squeeze %dma_wait3A_1214 : memref<1x128x2048xf32, #tpu.memory_space<hbm>> -> memref<128x2048xf32, #tpu.memory_space<hbm>>
    %dma_wait3A_1216 = arith.constant 0 : i32
    %dma_wait3A_1217 = arith.constant 0 : i32
    %dma_wait3A_1218 = tpu.memref_slice %arg3[%dma_wait3A_1207, %dma_wait3A_1216, %dma_wait3A_1217] : memref<4x128x2048xf32, #tpu.memory_space<vmem_shared>> -> memref<1x128x2048xf32, #tpu.memory_space<vmem_shared>>
    %dma_wait3A_1219 = tpu.memref_squeeze %dma_wait3A_1218 : memref<1x128x2048xf32, #tpu.memory_space<vmem_shared>> -> memref<128x2048xf32, #tpu.memory_space<vmem_shared>>
    tpu.wait_dma2 semaphore(%dma_wait3A_1212 : memref<!tpu.dma_semaphore, #tpu.memory_space<semaphore_mem>>) src(%dma_wait3A_1219 : memref<128x2048xf32, #tpu.memory_space<vmem_shared>>) dst(%dma_wait3A_1215 : memref<128x2048xf32, #tpu.memory_space<hbm>>)
    %dma_wait3A_1220 = arith.constant 3 : i32
    %dma_wait3A_1221 = arith.constant 0 : i32
    %dma_wait3A_1222 = arith.constant 3 : i32
    %dma_wait3A_1223 = arith.constant 0 : i32
    %dma_wait3A_1224 = tpu.memref_slice %arg5[%dma_wait3A_1222, %dma_wait3A_1223] : memref<4x2x!tpu.dma_semaphore, #tpu.memory_space<semaphore_mem>> -> memref<1x1x!tpu.dma_semaphore, #tpu.memory_space<semaphore_mem>>
    %dma_wait3A_1225 = tpu.memref_squeeze %dma_wait3A_1224 : memref<1x1x!tpu.dma_semaphore, #tpu.memory_space<semaphore_mem>> -> memref<!tpu.dma_semaphore, #tpu.memory_space<semaphore_mem>>
    %dma_wait3A_1226 = arith.constant 0 : i32
    %dma_wait3A_1227 = tpu.memref_slice %arg2[%dma_wait3A_1221, %add3A_1113, %dma_wait3A_1226] : memref<2x4096x2048xf32, #tpu.memory_space<hbm>> -> memref<1x128x2048xf32, #tpu.memory_space<hbm>>
    %dma_wait3A_1228 = tpu.memref_squeeze %dma_wait3A_1227 : memref<1x128x2048xf32, #tpu.memory_space<hbm>> -> memref<128x2048xf32, #tpu.memory_space<hbm>>
    %dma_wait3A_1229 = arith.constant 0 : i32
    %dma_wait3A_1230 = arith.constant 0 : i32
    %dma_wait3A_1231 = tpu.memref_slice %arg3[%dma_wait3A_1220, %dma_wait3A_1229, %dma_wait3A_1230] : memref<4x128x2048xf32, #tpu.memory_space<vmem_shared>> -> memref<1x128x2048xf32, #tpu.memory_space<vmem_shared>>
    %dma_wait3A_1232 = tpu.memref_squeeze %dma_wait3A_1231 : memref<1x128x2048xf32, #tpu.memory_space<vmem_shared>> -> memref<128x2048xf32, #tpu.memory_space<vmem_shared>>
    tpu.wait_dma2 semaphore(%dma_wait3A_1225 : memref<!tpu.dma_semaphore, #tpu.memory_space<semaphore_mem>>) src(%dma_wait3A_1232 : memref<128x2048xf32, #tpu.memory_space<vmem_shared>>) dst(%dma_wait3A_1228 : memref<128x2048xf32, #tpu.memory_space<hbm>>)
    %dma_wait3A_1233 = arith.constant 3 : i32
    %dma_wait3A_1234 = arith.constant 1 : i32
    %dma_wait3A_1235 = arith.constant 3 : i32
    %dma_wait3A_1236 = arith.constant 1 : i32
    %dma_wait3A_1237 = tpu.memref_slice %arg5[%dma_wait3A_1235, %dma_wait3A_1236] : memref<4x2x!tpu.dma_semaphore, #tpu.memory_space<semaphore_mem>> -> memref<1x1x!tpu.dma_semaphore, #tpu.memory_space<semaphore_mem>>
    %dma_wait3A_1238 = tpu.memref_squeeze %dma_wait3A_1237 : memref<1x1x!tpu.dma_semaphore, #tpu.memory_space<semaphore_mem>> -> memref<!tpu.dma_semaphore, #tpu.memory_space<semaphore_mem>>
    %dma_wait3A_1239 = arith.constant 0 : i32
    %dma_wait3A_1240 = tpu.memref_slice %arg2[%dma_wait3A_1234, %add3A_1128, %dma_wait3A_1239] : memref<2x4096x2048xf32, #tpu.memory_space<hbm>> -> memref<1x128x2048xf32, #tpu.memory_space<hbm>>
    %dma_wait3A_1241 = tpu.memref_squeeze %dma_wait3A_1240 : memref<1x128x2048xf32, #tpu.memory_space<hbm>> -> memref<128x2048xf32, #tpu.memory_space<hbm>>
    %dma_wait3A_1242 = arith.constant 0 : i32
    %dma_wait3A_1243 = arith.constant 0 : i32
    %dma_wait3A_1244 = tpu.memref_slice %arg3[%dma_wait3A_1233, %dma_wait3A_1242, %dma_wait3A_1243] : memref<4x128x2048xf32, #tpu.memory_space<vmem_shared>> -> memref<1x128x2048xf32, #tpu.memory_space<vmem_shared>>
    %dma_wait3A_1245 = tpu.memref_squeeze %dma_wait3A_1244 : memref<1x128x2048xf32, #tpu.memory_space<vmem_shared>> -> memref<128x2048xf32, #tpu.memory_space<vmem_shared>>
    tpu.wait_dma2 semaphore(%dma_wait3A_1238 : memref<!tpu.dma_semaphore, #tpu.memory_space<semaphore_mem>>) src(%dma_wait3A_1245 : memref<128x2048xf32, #tpu.memory_space<vmem_shared>>) dst(%dma_wait3A_1241 : memref<128x2048xf32, #tpu.memory_space<hbm>>)
    return
  }
}

</mosaic_0001>

<sc_bundles>
// kernel: kernel.3.cloned.1.call-start
scs
__scs_entry_jumppad:
0x0: {  	(pc) =	sbr.rel $0x88, $3  }
0x1: {  	(tag) =	ssettag $0x0;
	lr =	simm.s32 $0x1  }
0x2: {  	[smem:$0x3FA0] =	sst lr;
	_ =	strace $0xD0000000  }
0x3: {  	_ = 	snop  }
0x4: {  	_ = 	snop  }
0x5: {  	_ = 	snop  }
0x6: {  	_ = 	snop  }
0x7: {  	_ = 	snop  }
__scs_overlays_trampoline_lowered:
0x8: {  	[smem:$0x3FAF] =	sst s0  }
0x9: {  	[smem:$0x3FB0] =	sst s1  }
0xa: {  	[smem:$0x3FB1] =	sst s2  }
0xb: {  	[smem:$0x3FB2] =	sst s3  }
0xc: {  	[smem:$0x3FB3] =	sst s4  }
0xd: {  	[smem:$0x3FB4] =	sst s5  }
0xe: {  	[smem:$0x3FB5] =	sst s6  }
0xf: {  	[smem:$0x3FB6] =	sst s7  }
0x10: {  	[smem:$0x3FB7] =	sst s8  }
0x11: {  	[smem:$0x3FB8] =	sst s9;
	s0 =	simm.s32 @!p0 $0x0  }
0x12: {  	s1 =	sld [smem:$0x3F9E];
	s0 =	simm.s32 @p0 $0x1  }
0x13: {  	[smem:$0x3FB9] =	sst s0;
	s0 =	simm.s32 @!p1 $0x0  }
0x14: {  	s2 =	sld [smem:$0x3F9D];
	s0 =	simm.s32 @p1 $0x1  }
0x15: {  	[smem:$0x3FBA] =	sst s0;
	s0 =	simm.s32 @!p2 $0x0  }
0x16: {  	s3 =	sld [smem:$0x3FDB];
	s0 =	simm.s32 @p2 $0x1  }
0x17: {  	s4 =	simm.s32 $0x1BF5;
	[smem:$0x3FBC] =	sst s0  }
0x18: {  	s0 =	sld [smem:$0x3F9F];
	_ =	swait.ge [sflag:s4], $0x0  }
0x19: {  	s7 =	sld [smem:$0x3FA0]  }
0x1a: {  	s8 =	sadd.s32 $0xFFFFE003, lr  }
0x1b: {  	s9 =	sadd.s32 $0xFFFFFEF7, lr;
	s5 =	simm.s32 $0xFFFFFFFF;
	p2 =	slt.u32 s8, $0xFFFFF086  }
0x1c: {  	p1 =	slt.u32 s9, $0xF7A;
	s5 =	simm.s32 @!p2 $0x0  }
0x1d: {  	s5 =	simm.s32 @p1 $0x1;
	p0 =	seq.s32 s7, s2  }
0x1e: {  	s7 =	smul.u32 @!p0 $0xF7A, s2;
	p2 =	seq.s32 @!p0 s5, $0x0  }
0x1f: {  	s9 =	smul.u32 $0xF7A, s1;
	s8 =	simm.s32 @!p0 $0x1BF5;
	p2 =	por !p2, p0  }
0x20: {  	[sflag:s8] =	ssyncset.s32 @!p0 $0xFFFFF086;
	s6 =	sadd.s32 @!p0 s3, s7;
	s7 =	simm.s32 @!p0 $0x108  }
0x21: {  	s3 =	sadd.s32 s3, s9;
	s6 =	sadd.s32 @!p0 $0x88, s6;
	s7 =	simm.s32 @p2 $0x1082  }
0x22: {  	[simem:s7], [sflag:s8] =	dma.local @!p0 [hbm:s6], $0xF7A  }
0x23: {  	s9 =	sor.u32 $0xD0000000, s2;
	s6 =	simm.s32 $0x108;
	_ =	swait.ge @!p0 [sflag:s8], $0x0  }
0x24: {  	s3 =	sadd.s32 $0x88, s3;
	s6 =	simm.s32 @!p1 $0x1082;
	[sflag:s4] =	ssyncset.s32 $0xFFFFF086  }
0x25: {  	[simem:s6], [sflag:s4] =	dma.local [hbm:s3], $0xF7A  }
0x26: {  	[smem:$0x3FA0] =	sst s1;
	(tag) =	ssettag s2;
	_ =	strace s9  }
0x27: {  	s1 =	sld [smem:$0x3FB0]  }
0x28: {  	s2 =	sld [smem:$0x3FB1]  }
0x29: {  	s4 =	sld [smem:$0x3FB3]  }
0x2a: {  	p0 =	seq.s32 s5, $0x0;
	s5 =	sld [smem:$0x3FB4]  }
0x2b: {  	s6 =	sld [smem:$0x3FB5]  }
0x2c: {  	s7 =	sld [smem:$0x3FB6]  }
0x2d: {  	s3 =	simm.s32 $0x108;
	s8 =	sld [smem:$0x3FB7]  }
0x2e: {  	s3 =	simm.s32 @!p0 $0x1082;
	s9 =	sld [smem:$0x3FB8]  }
0x2f: {  	lr =	sadd.s32 s0, s3;
	s0 =	sld [smem:$0x3FAF]  }
0x30: {  	s3 =	sld [smem:$0x3FB2]  }
0x31: {  	[smem:$0x3FBB] =	sst s10  }
0x32: {  	s10 =	sld [smem:$0x3FB9];
	_ =	sdelay $0x3  }
0x33: {  	p0 =	seq.s32 s10, $0x1;
	s10 =	sld [smem:$0x3FBB];
	_ =	sdelay $0x3  }
0x34: {  	[smem:$0x3FBB] =	sst s10  }
0x35: {  	s10 =	sld [smem:$0x3FBA];
	_ =	sdelay $0x3  }
0x36: {  	p1 =	seq.s32 s10, $0x1;
	s10 =	sld [smem:$0x3FBB];
	_ =	sdelay $0x3  }
0x37: {  	[smem:$0x3FBB] =	sst s10  }
0x38: {  	s10 =	sld [smem:$0x3FBC]  }
0x39: {  	_ = 	snop;
	(pc) =	sbr.ind lr, $3  }
0x3a: {  	_ = 	snop  }
0x3b: {  	_ = 	snop  }
0x3c: {  	p2 =	seq.s32 s10, $0x1;
	s10 =	sld [smem:$0x3FBB]  }
0x3d: {  	_ =	shalt  }
0x3e: {  	_ =	shalt  }
0x3f: {  	_ =	shalt  }
0x40: {  	_ =	shalt  }
0x41: {  	_ =	shalt  }
0x42: {  	_ =	shalt  }
0x43: {  	_ =	shalt  }
0x44: {  	_ =	shalt  }
0x45: {  	_ =	shalt  }
0x46: {  	_ =	shalt  }
0x47: {  	_ =	shalt  }
0x48: {  	_ =	shalt  }
0x49: {  	_ =	shalt  }
0x4a: {  	_ =	shalt  }
0x4b: {  	_ =	shalt  }
0x4c: {  	_ =	shalt  }
0x4d: {  	_ =	shalt  }
0x4e: {  	_ =	shalt  }
0x4f: {  	_ =	shalt  }
0x50: {  	_ =	shalt  }
0x51: {  	_ =	shalt  }
0x52: {  	_ =	shalt  }
0x53: {  	_ =	shalt  }
0x54: {  	_ =	shalt  }
0x55: {  	_ =	shalt  }
0x56: {  	_ =	shalt  }
0x57: {  	_ =	shalt  }
0x58: {  	_ =	shalt  }
0x59: {  	_ =	shalt  }
0x5a: {  	_ =	shalt  }
0x5b: {  	_ =	shalt  }
0x5c: {  	_ =	shalt  }
0x5d: {  	_ =	shalt  }
0x5e: {  	_ =	shalt  }
0x5f: {  	_ =	shalt  }
0x60: {  	_ =	shalt  }
0x61: {  	_ =	shalt  }
0x62: {  	_ =	shalt  }
0x63: {  	_ =	shalt  }
0x64: {  	_ =	shalt  }
0x65: {  	_ =	shalt  }
0x66: {  	_ =	shalt  }
0x67: {  	_ =	shalt  }
0x68: {  	_ =	shalt  }
0x69: {  	_ =	shalt  }
0x6a: {  	_ =	shalt  }
0x6b: {  	_ =	shalt  }
0x6c: {  	_ =	shalt  }
0x6d: {  	_ =	shalt  }
0x6e: {  	_ =	shalt  }
0x6f: {  	_ =	shalt  }
0x70: {  	_ =	shalt  }
0x71: {  	_ =	shalt  }
0x72: {  	_ =	shalt  }
0x73: {  	_ =	shalt  }
0x74: {  	_ =	shalt  }
0x75: {  	_ =	shalt  }
0x76: {  	_ =	shalt  }
0x77: {  	_ =	shalt  }
0x78: {  	_ =	shalt  }
0x79: {  	_ =	shalt  }
0x7a: {  	_ =	shalt  }
0x7b: {  	_ =	shalt  }
0x7c: {  	_ =	shalt  }
0x7d: {  	_ =	shalt  }
0x7e: {  	_ =	shalt  }
0x7f: {  	_ =	shalt  }
0x80: {  	_ =	shalt  }
0x81: {  	_ =	shalt  }
0x82: {  	_ =	shalt  }
0x83: {  	_ =	shalt  }
0x84: {  	_ =	shalt  }
0x85: {  	_ =	shalt  }
0x86: {  	_ =	shalt  }
0x87: {  	_ =	shalt  }
.Lfunc_end0:
.L_simem_size_0:
called_computation_lowered:
.L_overlay_start_0:
0x88: {  	s2 =	sld [smem:$0x3FD9]  }
0x89: {  	s3 =	sld [smem:$0x3FFE];
	_ =	sdelay $0x1  }
0x8a: {  	s1 =	srdreg.scid  }
0x8b: {  	s0 =	sand.u32 $0x1, s1  }
0x8c: {  	s24 =	sshll.u32 s0, $0xA;
	s2 =	sadd.s32 s3, s2  }
0x8d: {  	s2 =	sadd.s32 s2, s24  }
0x8e: {  	s3 =	simm.s32 $0x0;
	[smem:$0x3FC7] =	sst s2  }
0x8f: {  	[smem:$0xF] =	sst s3  }
0x90: {  	s4 =	sld [smem:$0x3FC9]  }
0x91: {  	s2 =	sld [smem:$0x3FD0];
	(tm) =	ssettm $0x1  }
0x92: {  	s5 =	sld [smem:$0x3FFB];
	_ =	sdelay $0x3  }
0x93: {  	_ =	strace s5  }
0x94: {  	s5 =	sld [smem:$0x3FFC];
	_ =	sdelay $0x3  }
0x95: {  	_ =	strace s5  }
0x96: {  	s5 =	sld [smem:$0x3FFD];
	_ =	sdelay $0x2  }
0x97: {  	s25 =	simm.s32 $0x1B8B;
	s26 =	simm.s32 $0x1B8E;
	s14 =	simm.s32 $0x9  }
0x98: {  	s13 =	simm.s32 $0xA;
	s10 =	simm.s32 $0x8000;
	_ =	strace s5  }
0x99: {  	s11 =	simm.s32 $0xB;
	s6 =	simm.s32 $0x10000;
	_ =	strace $0x8FFFFFFF  }
0x9a: {  	s7 =	simm.s32 $0xC;
	s15 =	sshll.u32 s0, $0x13;
	_ =	swait.ge [sflag:s25], $0x1  }
0x9b: {  	s16 =	sor.u32 $0x8000, s15;
	s18 =	sor.u32 $0x10000, s15;
	[sflag:s25] =	ssyncset.done $0x0  }
0x9c: {  	s20 =	sor.u32 $0x18000, s15;
	s28 =	sadd.s32 s15, s4;
	[sflag:s25] =	ssyncadd.s32 $0xFFFFFFFF  }
0x9d: {  	s29 =	sadd.s32 s16, s4;
	s30 =	sadd.s32 s18, s4;
	[smem:$0x3FD2] =	sst s26  }
0x9e: {  	s8 =	sadd.s32 s20, s4;
	s5 =	simm.s32 $0x18000;
	_ =	strace $0x80000046  }
0x9f: {  	[spmem:s3], [sflag:s14] =	dma.local [hbm:s28], $0x8000  }
0xa0: {  	[spmem:s10], [sflag:s13] =	dma.local [hbm:s29], $0x8000  }
0xa1: {  	[spmem:s6], [sflag:s11] =	dma.local [hbm:s30], $0x8000  }
0xa2: {  	[spmem:s5], [sflag:s7] =	dma.local [hbm:s8], $0x8000  }
0xa3: {  	_ =	swait.ge [sflag:s14], $0x8000  }
0xa4: {  	s9 =	simm.s32 $0xE;
	s12 =	sadd.s32 s15, s2;
	[sflag:s14] =	ssyncset.done $0x0  }
0xa5: {  	s17 =	sadd.s32 $0x100000, s12;
	s8 =	simm.s32 $0xD;
	[sflag:s14] =	ssyncadd.s32 $0xFFFF8000  }
0xa6: {  	[hbm:s12], [sflag:s8] =	dma.local [spmem:s3], $0x8000  }
0xa7: {  	[hbm:s17], [sflag:s9] =	dma.local [spmem:s3], $0x8000  }
0xa8: {  	_ =	swait.ge [sflag:s8], $0x8000  }
0xa9: {  	[sflag:s8] =	ssyncset.done $0x0  }
0xaa: {  	[sflag:s8] =	ssyncadd.s32 $0xFFFF8000;
	_ =	sdelay $0x2  }
0xab: {  	_ =	swait.ge [sflag:s9], $0x8000  }
0xac: {  	[sflag:s9] =	ssyncset.done $0x0  }
0xad: {  	s22 =	sor.u32 $0x20000, s15;
	[sflag:s9] =	ssyncadd.s32 $0xFFFF8000  }
0xae: {  	s31 =	sadd.s32 s22, s4  }
0xaf: {  	[spmem:s3], [sflag:s14] =	dma.local [hbm:s31], $0x8000  }
0xb0: {  	_ =	swait.ge [sflag:s13], $0x8000  }
0xb1: {  	[sflag:s13] =	ssyncset.done $0x0  }
0xb2: {  	s19 =	sadd.s32 s16, s2;
	s16 =	simm.s32 $0xF;
	[sflag:s13] =	ssyncadd.s32 $0xFFFF8000  }
0xb3: {  	[hbm:s19], [sflag:s16] =	dma.local [spmem:s10], $0x8000  }
0xb4: {  	s17 =	simm.s32 $0x10;
	s19 =	sadd.s32 $0x108000, s12  }
0xb5: {  	[hbm:s19], [sflag:s17] =	dma.local [spmem:s10], $0x8000  }
0xb6: {  	_ =	swait.ge [sflag:s16], $0x8000  }
0xb7: {  	[sflag:s16] =	ssyncset.done $0x0  }
0xb8: {  	[sflag:s16] =	ssyncadd.s32 $0xFFFF8000;
	_ =	sdelay $0x2  }
0xb9: {  	_ =	swait.ge [sflag:s17], $0x8000  }
0xba: {  	[sflag:s17] =	ssyncset.done $0x0  }
0xbb: {  	s23 =	sor.u32 $0x28000, s15;
	[sflag:s17] =	ssyncadd.s32 $0xFFFF8000  }
0xbc: {  	s21 =	sadd.s32 s23, s4  }
0xbd: {  	[spmem:s10], [sflag:s13] =	dma.local [hbm:s21], $0x8000  }
0xbe: {  	_ =	swait.ge [sflag:s11], $0x8000  }
0xbf: {  	s24 =	sadd.s32 s18, s2;
	s18 =	simm.s32 $0x11;
	[sflag:s11] =	ssyncset.done $0x0  }
0xc0: {  	s19 =	simm.s32 $0x12;
	s21 =	sadd.s32 $0x110000, s12;
	[sflag:s11] =	ssyncadd.s32 $0xFFFF8000  }
0xc1: {  	[hbm:s24], [sflag:s18] =	dma.local [spmem:s6], $0x8000  }
0xc2: {  	[hbm:s21], [sflag:s19] =	dma.local [spmem:s6], $0x8000  }
0xc3: {  	_ =	swait.ge [sflag:s18], $0x8000  }
0xc4: {  	[sflag:s18] =	ssyncset.done $0x0  }
0xc5: {  	[sflag:s18] =	ssyncadd.s32 $0xFFFF8000;
	_ =	sdelay $0x2  }
0xc6: {  	_ =	swait.ge [sflag:s19], $0x8000  }
0xc7: {  	[sflag:s19] =	ssyncset.done $0x0  }
0xc8: {  	s24 =	sor.u32 $0x30000, s15;
	[sflag:s19] =	ssyncadd.s32 $0xFFFF8000  }
0xc9: {  	s25 =	sadd.s32 s24, s4  }
0xca: {  	[spmem:s6], [sflag:s11] =	dma.local [hbm:s25], $0x8000  }
0xcb: {  	_ =	swait.ge [sflag:s7], $0x8000  }
0xcc: {  	s26 =	sadd.s32 s20, s2;
	s20 =	simm.s32 $0x13;
	[sflag:s7] =	ssyncset.done $0x0  }
0xcd: {  	s21 =	simm.s32 $0x14;
	s25 =	sadd.s32 $0x118000, s12;
	[sflag:s7] =	ssyncadd.s32 $0xFFFF8000  }
0xce: {  	[hbm:s26], [sflag:s20] =	dma.local [spmem:s5], $0x8000  }
0xcf: {  	[hbm:s25], [sflag:s21] =	dma.local [spmem:s5], $0x8000  }
0xd0: {  	_ =	swait.ge [sflag:s20], $0x8000  }
0xd1: {  	[sflag:s20] =	ssyncset.done $0x0  }
0xd2: {  	[sflag:s20] =	ssyncadd.s32 $0xFFFF8000;
	_ =	sdelay $0x2  }
0xd3: {  	_ =	swait.ge [sflag:s21], $0x8000  }
0xd4: {  	[sflag:s21] =	ssyncset.done $0x0  }
0xd5: {  	s25 =	sor.u32 $0x38000, s15;
	[sflag:s21] =	ssyncadd.s32 $0xFFFF8000  }
0xd6: {  	s26 =	sadd.s32 s25, s4  }
0xd7: {  	[spmem:s5], [sflag:s7] =	dma.local [hbm:s26], $0x8000  }
0xd8: {  	_ =	swait.ge [sflag:s14], $0x8000  }
0xd9: {  	[sflag:s14] =	ssyncset.done $0x0  }
0xda: {  	s22 =	sadd.s32 s22, s2;
	s28 =	sadd.s32 $0x120000, s12;
	[sflag:s14] =	ssyncadd.s32 $0xFFFF8000  }
0xdb: {  	[hbm:s22], [sflag:s8] =	dma.local [spmem:s3], $0x8000  }
0xdc: {  	[hbm:s28], [sflag:s9] =	dma.local [spmem:s3], $0x8000  }
0xdd: {  	_ =	swait.ge [sflag:s8], $0x8000  }
0xde: {  	[sflag:s8] =	ssyncset.done $0x0  }
0xdf: {  	[sflag:s8] =	ssyncadd.s32 $0xFFFF8000;
	_ =	sdelay $0x2  }
0xe0: {  	_ =	swait.ge [sflag:s9], $0x8000  }
0xe1: {  	[sflag:s9] =	ssyncset.done $0x0  }
0xe2: {  	s22 =	sor.u32 $0x40000, s15;
	[sflag:s9] =	ssyncadd.s32 $0xFFFF8000  }
0xe3: {  	s29 =	sadd.s32 s22, s4  }
0xe4: {  	[spmem:s3], [sflag:s14] =	dma.local [hbm:s29], $0x8000  }
0xe5: {  	_ =	swait.ge [sflag:s13], $0x8000  }
0xe6: {  	[sflag:s13] =	ssyncset.done $0x0  }
0xe7: {  	s23 =	sadd.s32 s23, s2;
	s30 =	sadd.s32 $0x128000, s12;
	[sflag:s13] =	ssyncadd.s32 $0xFFFF8000  }
0xe8: {  	[hbm:s23], [sflag:s16] =	dma.local [spmem:s10], $0x8000  }
0xe9: {  	[hbm:s30], [sflag:s17] =	dma.local [spmem:s10], $0x8000  }
0xea: {  	_ =	swait.ge [sflag:s16], $0x8000  }
0xeb: {  	[sflag:s16] =	ssyncset.done $0x0  }
0xec: {  	[sflag:s16] =	ssyncadd.s32 $0xFFFF8000;
	_ =	sdelay $0x2  }
0xed: {  	_ =	swait.ge [sflag:s17], $0x8000  }
0xee: {  	[sflag:s17] =	ssyncset.done $0x0  }
0xef: {  	s23 =	sor.u32 $0x48000, s15;
	[sflag:s17] =	ssyncadd.s32 $0xFFFF8000  }
0xf0: {  	s31 =	sadd.s32 s23, s4  }
0xf1: {  	[spmem:s10], [sflag:s13] =	dma.local [hbm:s31], $0x8000  }
0xf2: {  	_ =	swait.ge [sflag:s11], $0x8000  }
0xf3: {  	[sflag:s11] =	ssyncset.done $0x0  }
0xf4: {  	s24 =	sadd.s32 s24, s2;
	s28 =	sadd.s32 $0x130000, s12;
	[sflag:s11] =	ssyncadd.s32 $0xFFFF8000  }
0xf5: {  	[hbm:s24], [sflag:s18] =	dma.local [spmem:s6], $0x8000  }
0xf6: {  	[hbm:s28], [sflag:s19] =	dma.local [spmem:s6], $0x8000  }
0xf7: {  	_ =	swait.ge [sflag:s18], $0x8000  }
0xf8: {  	[sflag:s18] =	ssyncset.done $0x0  }
0xf9: {  	[sflag:s18] =	ssyncadd.s32 $0xFFFF8000;
	_ =	sdelay $0x2  }
0xfa: {  	_ =	swait.ge [sflag:s19], $0x8000  }
0xfb: {  	[sflag:s19] =	ssyncset.done $0x0  }
0xfc: {  	s24 =	sor.u32 $0x50000, s15;
	[sflag:s19] =	ssyncadd.s32 $0xFFFF8000  }
0xfd: {  	s29 =	sadd.s32 s24, s4  }
0xfe: {  	[spmem:s6], [sflag:s11] =	dma.local [hbm:s29], $0x8000  }
0xff: {  	_ =	swait.ge [sflag:s7], $0x8000  }
0x100: {  	[sflag:s7] =	ssyncset.done $0x0  }
0x101: {  	s25 =	sadd.s32 s25, s2;
	s30 =	sadd.s32 $0x138000, s12;
	[sflag:s7] =	ssyncadd.s32 $0xFFFF8000  }
0x102: {  	[hbm:s25], [sflag:s20] =	dma.local [spmem:s5], $0x8000  }
0x103: {  	[hbm:s30], [sflag:s21] =	dma.local [spmem:s5], $0x8000  }
0x104: {  	_ =	swait.ge [sflag:s20], $0x8000  }
0x105: {  	[sflag:s20] =	ssyncset.done $0x0  }
0x106: {  	[sflag:s20] =	ssyncadd.s32 $0xFFFF8000;
	_ =	sdelay $0x2  }
0x107: {  	_ =	swait.ge [sflag:s21], $0x8000  }
0x108: {  	[sflag:s21] =	ssyncset.done $0x0  }
0x109: {  	s25 =	sor.u32 $0x58000, s15;
	[sflag:s21] =	ssyncadd.s32 $0xFFFF8000  }
0x10a: {  	s31 =	sadd.s32 s25, s4  }
0x10b: {  	[spmem:s5], [sflag:s7] =	dma.local [hbm:s31], $0x8000  }
0x10c: {  	_ =	swait.ge [sflag:s14], $0x8000  }
0x10d: {  	[sflag:s14] =	ssyncset.done $0x0  }
0x10e: {  	s22 =	sadd.s32 s22, s2;
	s28 =	sadd.s32 $0x140000, s12;
	[sflag:s14] =	ssyncadd.s32 $0xFFFF8000  }
0x10f: {  	[hbm:s22], [sflag:s8] =	dma.local [spmem:s3], $0x8000  }
0x110: {  	[hbm:s28], [sflag:s9] =	dma.local [spmem:s3], $0x8000  }
0x111: {  	_ =	swait.ge [sflag:s8], $0x8000  }
0x112: {  	[sflag:s8] =	ssyncset.done $0x0  }
0x113: {  	[sflag:s8] =	ssyncadd.s32 $0xFFFF8000;
	_ =	sdelay $0x2  }
0x114: {  	_ =	swait.ge [sflag:s9], $0x8000  }
0x115: {  	[sflag:s9] =	ssyncset.done $0x0  }
0x116: {  	s22 =	sor.u32 $0x60000, s15;
	[sflag:s9] =	ssyncadd.s32 $0xFFFF8000  }
0x117: {  	s29 =	sadd.s32 s22, s4  }
0x118: {  	[spmem:s3], [sflag:s14] =	dma.local [hbm:s29], $0x8000  }
0x119: {  	_ =	swait.ge [sflag:s13], $0x8000  }
0x11a: {  	[sflag:s13] =	ssyncset.done $0x0  }
0x11b: {  	s23 =	sadd.s32 s23, s2;
	s30 =	sadd.s32 $0x148000, s12;
	[sflag:s13] =	ssyncadd.s32 $0xFFFF8000  }
0x11c: {  	[hbm:s23], [sflag:s16] =	dma.local [spmem:s10], $0x8000  }
0x11d: {  	[hbm:s30], [sflag:s17] =	dma.local [spmem:s10], $0x8000  }
0x11e: {  	_ =	swait.ge [sflag:s16], $0x8000  }
0x11f: {  	[sflag:s16] =	ssyncset.done $0x0  }
0x120: {  	[sflag:s16] =	ssyncadd.s32 $0xFFFF8000;
	_ =	sdelay $0x2  }
0x121: {  	_ =	swait.ge [sflag:s17], $0x8000  }
0x122: {  	[sflag:s17] =	ssyncset.done $0x0  }
0x123: {  	s23 =	sor.u32 $0x68000, s15;
	[sflag:s17] =	ssyncadd.s32 $0xFFFF8000  }
0x124: {  	s31 =	sadd.s32 s23, s4  }
0x125: {  	[spmem:s10], [sflag:s13] =	dma.local [hbm:s31], $0x8000  }
0x126: {  	_ =	swait.ge [sflag:s11], $0x8000  }
0x127: {  	[sflag:s11] =	ssyncset.done $0x0  }
0x128: {  	s26 =	sadd.s32 $0x150000, s12;
	s24 =	sadd.s32 s24, s2;
	[sflag:s11] =	ssyncadd.s32 $0xFFFF8000  }
0x129: {  	[hbm:s24], [sflag:s18] =	dma.local [spmem:s6], $0x8000  }
0x12a: {  	[hbm:s26], [sflag:s19] =	dma.local [spmem:s6], $0x8000  }
0x12b: {  	_ =	swait.ge [sflag:s18], $0x8000  }
0x12c: {  	[sflag:s18] =	ssyncset.done $0x0  }
0x12d: {  	[sflag:s18] =	ssyncadd.s32 $0xFFFF8000;
	_ =	sdelay $0x2  }
0x12e: {  	_ =	swait.ge [sflag:s19], $0x8000  }
0x12f: {  	[sflag:s19] =	ssyncset.done $0x0  }
0x130: {  	s28 =	sor.u32 $0x70000, s15;
	[sflag:s19] =	ssyncadd.s32 $0xFFFF8000  }
0x131: {  	s29 =	sadd.s32 s28, s4  }
0x132: {  	[spmem:s6], [sflag:s11] =	dma.local [hbm:s29], $0x8000  }
0x133: {  	_ =	swait.ge [sflag:s7], $0x8000  }
0x134: {  	[sflag:s7] =	ssyncset.done $0x0  }
0x135: {  	s25 =	sadd.s32 s25, s2;
	s30 =	sadd.s32 $0x158000, s12;
	[sflag:s7] =	ssyncadd.s32 $0xFFFF8000  }
0x136: {  	[hbm:s25], [sflag:s20] =	dma.local [spmem:s5], $0x8000  }
0x137: {  	[hbm:s30], [sflag:s21] =	dma.local [spmem:s5], $0x8000  }
0x138: {  	_ =	swait.ge [sflag:s20], $0x8000  }
0x139: {  	[sflag:s20] =	ssyncset.done $0x0  }
0x13a: {  	[sflag:s20] =	ssyncadd.s32 $0xFFFF8000;
	_ =	sdelay $0x2  }
0x13b: {  	_ =	swait.ge [sflag:s21], $0x8000  }
0x13c: {  	[sflag:s21] =	ssyncset.done $0x0  }
0x13d: {  	s15 =	sor.u32 $0x78000, s15;
	[sflag:s21] =	ssyncadd.s32 $0xFFFF8000  }
0x13e: {  	s4 =	sadd.s32 s15, s4  }
0x13f: {  	[spmem:s5], [sflag:s7] =	dma.local [hbm:s4], $0x8000  }
0x140: {  	_ =	swait.ge [sflag:s14], $0x8000  }
0x141: {  	[sflag:s14] =	ssyncset.done $0x0  }
0x142: {  	s31 =	sadd.s32 s22, s2;
	[sflag:s14] =	ssyncadd.s32 $0xFFFF8000;
	s14 =	sadd.s32 $0x160000, s12  }
0x143: {  	[hbm:s31], [sflag:s8] =	dma.local [spmem:s3], $0x8000  }
0x144: {  	[hbm:s14], [sflag:s9] =	dma.local [spmem:s3], $0x8000  }
0x145: {  	_ =	swait.ge [sflag:s13], $0x8000  }
0x146: {  	[sflag:s13] =	ssyncset.done $0x0  }
0x147: {  	s22 =	sadd.s32 s23, s2;
	s23 =	sadd.s32 $0x168000, s12;
	[sflag:s13] =	ssyncadd.s32 $0xFFFF8000  }
0x148: {  	[hbm:s22], [sflag:s16] =	dma.local [spmem:s10], $0x8000  }
0x149: {  	[hbm:s23], [sflag:s17] =	dma.local [spmem:s10], $0x8000  }
0x14a: {  	_ =	swait.ge [sflag:s11], $0x8000  }
0x14b: {  	[sflag:s11] =	ssyncset.done $0x0  }
0x14c: {  	s26 =	sadd.s32 $0x170000, s12;
	s25 =	sadd.s32 s28, s2;
	[sflag:s11] =	ssyncadd.s32 $0xFFFF8000  }
0x14d: {  	[hbm:s25], [sflag:s18] =	dma.local [spmem:s6], $0x8000  }
0x14e: {  	[hbm:s26], [sflag:s19] =	dma.local [spmem:s6], $0x8000  }
0x14f: {  	_ =	swait.ge [sflag:s7], $0x8000  }
0x150: {  	[sflag:s7] =	ssyncset.done $0x0  }
0x151: {  	s2 =	sadd.s32 s15, s2;
	s28 =	sadd.s32 $0x178000, s12;
	[sflag:s7] =	ssyncadd.s32 $0xFFFF8000  }
0x152: {  	[hbm:s2], [sflag:s20] =	dma.local [spmem:s5], $0x8000  }
0x153: {  	[hbm:s28], [sflag:s21] =	dma.local [spmem:s5], $0x8000  }
0x154: {  	_ =	swait.ge [sflag:s8], $0x8000  }
0x155: {  	[sflag:s8] =	ssyncset.done $0x0  }
0x156: {  	[sflag:s8] =	ssyncadd.s32 $0xFFFF8000;
	_ =	sdelay $0x2  }
0x157: {  	_ =	swait.ge [sflag:s9], $0x8000  }
0x158: {  	[sflag:s9] =	ssyncset.done $0x0  }
0x159: {  	[sflag:s9] =	ssyncadd.s32 $0xFFFF8000;
	_ =	sdelay $0x2  }
0x15a: {  	_ =	swait.ge [sflag:s16], $0x8000  }
0x15b: {  	[sflag:s16] =	ssyncset.done $0x0  }
0x15c: {  	[sflag:s16] =	ssyncadd.s32 $0xFFFF8000;
	_ =	sdelay $0x2  }
0x15d: {  	_ =	swait.ge [sflag:s17], $0x8000  }
0x15e: {  	[sflag:s17] =	ssyncset.done $0x0  }
0x15f: {  	[sflag:s17] =	ssyncadd.s32 $0xFFFF8000;
	_ =	sdelay $0x2  }
0x160: {  	_ =	swait.ge [sflag:s18], $0x8000  }
0x161: {  	[sflag:s18] =	ssyncset.done $0x0  }
0x162: {  	[sflag:s18] =	ssyncadd.s32 $0xFFFF8000;
	_ =	sdelay $0x2  }
0x163: {  	_ =	swait.ge [sflag:s19], $0x8000  }
0x164: {  	[sflag:s19] =	ssyncset.done $0x0  }
0x165: {  	[sflag:s19] =	ssyncadd.s32 $0xFFFF8000;
	_ =	sdelay $0x2  }
0x166: {  	_ =	swait.ge [sflag:s20], $0x8000  }
0x167: {  	[sflag:s20] =	ssyncset.done $0x0  }
0x168: {  	[sflag:s20] =	ssyncadd.s32 $0xFFFF8000;
	_ =	sdelay $0x2  }
0x169: {  	_ =	swait.ge [sflag:s21], $0x8000  }
0x16a: {  	[sflag:s21] =	ssyncset.done $0x0  }
0x16b: {  	[sflag:s21] =	ssyncadd.s32 $0xFFFF8000  }
0x16c: {  	_ =	strace $0x90000046  }
0x16d: {  	_ =	sfence  }
0x16e: {  	s29 =	sld [smem:$0x0];
	_ =	sdelay $0x2  }
0x16f: {  	s30 =	sshll.u32 s1, $0xD;
	s1 =	sshrl.u32 s1, $0x2  }
0x170: {  	s31 =	sand.u32 $0x4000, s30;
	s1 =	sadd.s32 s1, s29  }
0x171: {  	s0 =	sor.u32 s31, s0;
	s1 =	sshll.u32 s1, $0x11  }
0x172: {  	s0 =	sor.u32 s1, s0  }
0x173: {  	s0 =	sadd.s32 $0x8F2B, s0;
	(pc) =	sbr.abs _section_cstart, $3  }
0x174: {  	[sflag:s0] =	ssyncadd.remote.s32 $0x1  }
0x175: {  	_ =	strace $0x9FFFFFFF  }
0x176: {  	(tm) =	ssettm $0x7FFFFFFF  }
0x177: {  	_ =	shalt  }

</sc_bundles>
